<compile_context>
chip_gen: v7x
topology: tpu7x:2x2x1
jax: 0.10.2.dev20260603
libtpu: 0.0.44.dev20260713+nightly
codegen_flags: <defaults>
</compile_context>

<pallas_src>
import functools

import jax
import jax.numpy as jnp
from jax import lax
from jax.experimental import pallas as pl
from jax.experimental.pallas import tpu as pltpu
from jax.experimental.pallas import tpu_sc as plsc

B = 4096
L = 200
NC = 2
NS = 16
NW = NC * NS
CPW = B // NW
LANES = 16
NG = CPW // LANES

_mesh = plsc.VectorSubcoreMesh(core_axis_name="c", subcore_axis_name="s")


@functools.partial(
    pl.kernel,
    out_type=jax.ShapeDtypeStruct((NW, LANES), jnp.float32),
    mesh=_mesh,
    scratch_types=[
        pltpu.VMEM((L, CPW), jnp.float32),
        pltpu.VMEM((CPW,), jnp.int32),
        pltpu.VMEM((CPW,), jnp.int32),
        pltpu.VMEM((CPW,), jnp.float32),
        pltpu.VMEM((LANES,), jnp.float32),
        pltpu.SemaphoreType.DMA,
        pltpu.SemaphoreType.DMA,
        pltpu.SemaphoreType.DMA,
        pltpu.SemaphoreType.DMA,
    ],
    compiler_params=pltpu.CompilerParams(needs_layout_passes=False),
)
def _sc_partials(xt_hbm, il_hbm, un_hbm, y_hbm, out_hbm,
                 xv, ilv, unv, yv, stage, sem0, sem1, sem2, sem3):
    cid = lax.axis_index("c")
    sid = lax.axis_index("s")
    wid = sid * NC + cid
    cbase = wid * CPW

    c0 = pltpu.async_copy(xt_hbm.at[:, pl.ds(cbase, CPW)], xv, sem0)
    c1 = pltpu.async_copy(il_hbm.at[pl.ds(cbase, CPW)], ilv, sem1)
    c2 = pltpu.async_copy(un_hbm.at[pl.ds(cbase, CPW)], unv, sem2)
    c3 = pltpu.async_copy(y_hbm.at[pl.ds(cbase, CPW)], yv, sem3)
    c1.wait()
    c2.wait()
    c3.wait()
    c0.wait()

    iota = lax.iota(jnp.int32, LANES)
    hps = [(ilv[pl.ds(g * LANES, LANES)] >> 1) * unv[pl.ds(g * LANES, LANES)]
           for g in range(NG)]
    colvecs = [iota + g * LANES for g in range(NG)]
    pairs_vec = jnp.zeros((LANES,), jnp.int32)
    for g in range(NG):
        pairs_vec = pairs_vec + hps[g]

    HMAX = (L - 1) // 2

    def body_a(i, carry):
        sq, rss = carry
        ivec = jnp.full((LANES,), i, dtype=jnp.int32)
        rss_new = []
        for g in range(NG):
            f = xv[i, pl.ds(g * LANES, LANES)]
            rss_new.append(rss[g] + f)
            pm = ivec < hps[g]
            s = plsc.load_gather(xv, [ivec + hps[g], colvecs[g]], mask=pm)
            d = f - s
            sq = sq + jnp.where(pm, d * d, 0.0)
        return sq, tuple(rss_new)

    def body_b(i, rss):
        return tuple(rss[g] + xv[i, pl.ds(g * LANES, LANES)]
                     for g in range(NG))

    zero = jnp.zeros((LANES,), jnp.float32)
    sq_acc, rss = lax.fori_loop(0, HMAX, body_a,
                                (zero, (zero,) * NG))
    rss = lax.fori_loop(HMAX, L, body_b, rss)

    loss_acc = jnp.zeros((LANES,), jnp.float32)
    for g in range(NG):
        dv = rss[g] - yv[pl.ds(g * LANES, LANES)]
        loss_acc = loss_acc + dv * dv

    sq_s = jnp.sum(sq_acc)
    pair_s = jnp.sum(pairs_vec).astype(jnp.float32)
    loss_s = jnp.sum(loss_acc)
    v = jnp.where(iota == 0, sq_s,
                  jnp.where(iota == 1, pair_s,
                            jnp.where(iota == 2, loss_s, 0.0)))
    stage[...] = v
    pltpu.sync_copy(stage, out_hbm.at[wid])


def _combine_body(p_ref, o_ref):
    p = p_ref[...]
    sq = jnp.sum(p[:, 0])
    pr = jnp.sum(p[:, 1])
    ls = jnp.sum(p[:, 2])
    total = ls / jnp.float32(B) + sq / jnp.maximum(pr, 1.0)
    o_ref[...] = jnp.full((1, 1), total, dtype=jnp.float32)


def kernel(outputs, y, unrolled, inst_len):
    un = unrolled.astype(jnp.int32)
    part = _sc_partials(outputs.T, inst_len.astype(jnp.int32), un, y)
    total = pl.pallas_call(
        _combine_body,
        out_shape=jax.ShapeDtypeStruct((1, 1), jnp.float32),
    )(part)
    return total[0, 0]

# --- scband reference (transcript-rebuilt; emitter-appended) ---
"""Pipeline reference for scband-un-rolling-module-43679817401147 (READ-ONLY COPY).

The authoritative reference and input builder live on the scoring server;
editing this copy changes nothing except your own understanding.
"""

import jax, jax.numpy as jnp
import numpy as np

B = 4096
L = 200

def setup_inputs(seed: int = 0) -> dict:
    key = jax.random.key(seed)
    k1, k2, k3, k4 = jax.random.split(key, 4)
    outputs = jax.random.normal(k1, (B, L), dtype=jnp.float32)
    y = jax.random.normal(k2, (B,), dtype=jnp.float32)
    unrolled = jax.random.randint(k3, (B,), 0, 2).astype(jnp.bool_)
    inst_len = jax.random.randint(k4, (B,), 2, L).astype(jnp.int32)
    return {"outputs": outputs, "y": y, "unrolled": unrolled, "inst_len": inst_len}

def reference(outputs, y, unrolled, inst_len):
    # Faithful translation of UnRollingModule.run_val loss computation.
    # forward is abstract; we treat per-instruction predictions `outputs`
    # [B, L] as the model output, output_sum = sum over instructions.
    Bn, Ln = outputs.shape
    half = inst_len // 2  # trunc division, inst_len >= 0
    idx = jnp.arange(Ln, dtype=jnp.int32)[None, :]  # [1, L]
    # pair i valid when i < half[b] and sample b is unrolled
    pair_mask = (idx < half[:, None]) & unrolled[:, None]  # [B, L]
    # s[b, i] = outputs[b, i + half[b]] (clipped for safety; masked out anyway)
    second_idx = jnp.clip(idx + half[:, None], 0, Ln - 1)
    f = outputs
    s = jnp.take_along_axis(outputs, second_idx, axis=1)
    sq = jnp.where(pair_mask, (f - s) ** 2, 0.0)
    n_pairs = jnp.maximum(pair_mask.sum(), 1)
    # unrolled_loss_fn == MSE over all stacked (f, s) pairs
    unrolled_loss = sq.sum() / n_pairs.astype(outputs.dtype)
    output_sum = outputs.sum(axis=1)
    # loss_fn == MSE between summed prediction and target throughput
    loss = jnp.mean((output_sum - y) ** 2)
    total = loss + unrolled_loss
    return total

if __name__ == "__main__":
    import jax
    _d = setup_inputs()
    print(jax.jit(kernel)(*tuple(_d.values())))

</pallas_src>

<mosaic_0001>
#map = affine_map<(d0, d1) -> (0, 0)>
#map1 = affine_map<(d0, d1) -> (0)>
module attributes {stable_mosaic.version = 14 : i64} {
  func.func @_sc_partials(%arg0: i32, %arg1: i32, %arg2: memref<200x4096xf32, #tpu.memory_space<hbm>>, %arg3: memref<4096xi32, #tpu.memory_space<hbm>>, %arg4: memref<4096xi32, #tpu.memory_space<hbm>>, %arg5: memref<4096xf32, #tpu.memory_space<hbm>>, %arg6: memref<32x16xf32, #tpu.memory_space<hbm>>, %arg7: memref<200x128xf32, #tpu.memory_space<vmem>>, %arg8: memref<128xi32, #tpu.memory_space<vmem>>, %arg9: memref<128xi32, #tpu.memory_space<vmem>>, %arg10: memref<128xf32, #tpu.memory_space<vmem>>, %arg11: memref<16xf32, #tpu.memory_space<vmem>>, %arg12: memref<!tpu.dma_semaphore, #tpu.memory_space<semaphore_mem>>, %arg13: memref<!tpu.dma_semaphore, #tpu.memory_space<semaphore_mem>>, %arg14: memref<!tpu.dma_semaphore, #tpu.memory_space<semaphore_mem>>, %arg15: memref<!tpu.dma_semaphore, #tpu.memory_space<semaphore_mem>>) attributes {dimension_semantics = [#tpu.dimension_semantics<core_parallel>, #tpu.dimension_semantics<subcore_parallel>], iteration_bounds = array<i64: 2, 16>, scalar_prefetch = 0 : i64, scratch_operands = 9 : i64, tpu.core_type = #tpu.core_type<sc_vector_subcore>, window_params = [{transform_indices = #map}, {transform_indices = #map1}, {transform_indices = #map1}, {transform_indices = #map1}, {transform_indices = #map}]} {
    %mul3A = arith.constant 2 : i32
    %mul3A_0 = arith.muli %arg1, %mul3A : i32
    %add3A = arith.addi %mul3A_0, %arg0 : i32
    %mul3A_1 = arith.constant 128 : i32
    %mul3A_2 = arith.muli %add3A, %mul3A_1 : i32
    %dma_start3A = arith.constant 0 : i32
    %dma_start3A_3 = tpu.memref_slice %arg2[%dma_start3A, %mul3A_2] : memref<200x4096xf32, #tpu.memory_space<hbm>> -> memref<200x128xf32, #tpu.memory_space<hbm>>
    %dma_start3A_4 = arith.constant 0 : i32
    %dma_start3A_5 = tpu.memref_slice %arg2[%dma_start3A_4, %mul3A_2] : memref<200x4096xf32, #tpu.memory_space<hbm>> -> memref<200x128xf32, #tpu.memory_space<hbm>>
    tpu.enqueue_dma source(%dma_start3A_5 : memref<200x128xf32, #tpu.memory_space<hbm>>) target(%arg7 : memref<200x128xf32, #tpu.memory_space<vmem>>) target_semaphore(%arg12 : memref<!tpu.dma_semaphore, #tpu.memory_space<semaphore_mem>>)
    %dma_start3A_6 = tpu.memref_slice %arg3[%mul3A_2] : memref<4096xi32, #tpu.memory_space<hbm>> -> memref<128xi32, #tpu.memory_space<hbm>>
    %dma_start3A_7 = tpu.memref_slice %arg3[%mul3A_2] : memref<4096xi32, #tpu.memory_space<hbm>> -> memref<128xi32, #tpu.memory_space<hbm>>
    tpu.enqueue_dma source(%dma_start3A_7 : memref<128xi32, #tpu.memory_space<hbm>>) target(%arg8 : memref<128xi32, #tpu.memory_space<vmem>>) target_semaphore(%arg13 : memref<!tpu.dma_semaphore, #tpu.memory_space<semaphore_mem>>)
    %dma_start3A_8 = tpu.memref_slice %arg4[%mul3A_2] : memref<4096xi32, #tpu.memory_space<hbm>> -> memref<128xi32, #tpu.memory_space<hbm>>
    %dma_start3A_9 = tpu.memref_slice %arg4[%mul3A_2] : memref<4096xi32, #tpu.memory_space<hbm>> -> memref<128xi32, #tpu.memory_space<hbm>>
    tpu.enqueue_dma source(%dma_start3A_9 : memref<128xi32, #tpu.memory_space<hbm>>) target(%arg9 : memref<128xi32, #tpu.memory_space<vmem>>) target_semaphore(%arg14 : memref<!tpu.dma_semaphore, #tpu.memory_space<semaphore_mem>>)
    %dma_start3A_10 = tpu.memref_slice %arg5[%mul3A_2] : memref<4096xf32, #tpu.memory_space<hbm>> -> memref<128xf32, #tpu.memory_space<hbm>>
    %dma_start3A_11 = tpu.memref_slice %arg5[%mul3A_2] : memref<4096xf32, #tpu.memory_space<hbm>> -> memref<128xf32, #tpu.memory_space<hbm>>
    tpu.enqueue_dma source(%dma_start3A_11 : memref<128xf32, #tpu.memory_space<hbm>>) target(%arg10 : memref<128xf32, #tpu.memory_space<vmem>>) target_semaphore(%arg15 : memref<!tpu.dma_semaphore, #tpu.memory_space<semaphore_mem>>)
    %dma_wait3A = tpu.memref_slice %arg3[%mul3A_2] : memref<4096xi32, #tpu.memory_space<hbm>> -> memref<128xi32, #tpu.memory_space<hbm>>
    %dma_wait3A_12 = tpu.memref_slice %arg3[%mul3A_2] : memref<4096xi32, #tpu.memory_space<hbm>> -> memref<128xi32, #tpu.memory_space<hbm>>
    tpu.wait_dma2 semaphore(%arg13 : memref<!tpu.dma_semaphore, #tpu.memory_space<semaphore_mem>>) src(%dma_wait3A_12 : memref<128xi32, #tpu.memory_space<hbm>>) dst(%arg8 : memref<128xi32, #tpu.memory_space<vmem>>)
    %dma_wait3A_13 = tpu.memref_slice %arg4[%mul3A_2] : memref<4096xi32, #tpu.memory_space<hbm>> -> memref<128xi32, #tpu.memory_space<hbm>>
    %dma_wait3A_14 = tpu.memref_slice %arg4[%mul3A_2] : memref<4096xi32, #tpu.memory_space<hbm>> -> memref<128xi32, #tpu.memory_space<hbm>>
    tpu.wait_dma2 semaphore(%arg14 : memref<!tpu.dma_semaphore, #tpu.memory_space<semaphore_mem>>) src(%dma_wait3A_14 : memref<128xi32, #tpu.memory_space<hbm>>) dst(%arg9 : memref<128xi32, #tpu.memory_space<vmem>>)
    %dma_wait3A_15 = tpu.memref_slice %arg5[%mul3A_2] : memref<4096xf32, #tpu.memory_space<hbm>> -> memref<128xf32, #tpu.memory_space<hbm>>
    %dma_wait3A_16 = tpu.memref_slice %arg5[%mul3A_2] : memref<4096xf32, #tpu.memory_space<hbm>> -> memref<128xf32, #tpu.memory_space<hbm>>
    tpu.wait_dma2 semaphore(%arg15 : memref<!tpu.dma_semaphore, #tpu.memory_space<semaphore_mem>>) src(%dma_wait3A_16 : memref<128xf32, #tpu.memory_space<hbm>>) dst(%arg10 : memref<128xf32, #tpu.memory_space<vmem>>)
    %dma_wait3A_17 = arith.constant 0 : i32
    %dma_wait3A_18 = tpu.memref_slice %arg2[%dma_wait3A_17, %mul3A_2] : memref<200x4096xf32, #tpu.memory_space<hbm>> -> memref<200x128xf32, #tpu.memory_space<hbm>>
    %dma_wait3A_19 = arith.constant 0 : i32
    %dma_wait3A_20 = tpu.memref_slice %arg2[%dma_wait3A_19, %mul3A_2] : memref<200x4096xf32, #tpu.memory_space<hbm>> -> memref<200x128xf32, #tpu.memory_space<hbm>>
    tpu.wait_dma2 semaphore(%arg12 : memref<!tpu.dma_semaphore, #tpu.memory_space<semaphore_mem>>) src(%dma_wait3A_20 : memref<200x128xf32, #tpu.memory_space<hbm>>) dst(%arg7 : memref<200x128xf32, #tpu.memory_space<vmem>>)
    %iota3A = tpu.iota {dimensions = array<i32: 0>} : vector<16xi32>
    %get3A = arith.constant 0 : index
    %get3A_21 = tpu.vector_load %arg8[%get3A] {strides = array<i32>} : memref<128xi32, #tpu.memory_space<vmem>>, vector<16xi32>,
    %shift_right_arithmetic3A = arith.constant 1 : i32
    %shift_right_arithmetic3A_22 = vector.broadcast %shift_right_arithmetic3A : i32 to vector<16xi32>
    %shift_right_arithmetic3A_23 = arith.shrsi %get3A_21, %shift_right_arithmetic3A_22 : vector<16xi32>
    %get3A_24 = arith.constant 0 : index
    %get3A_25 = tpu.vector_load %arg9[%get3A_24] {strides = array<i32>} : memref<128xi32, #tpu.memory_space<vmem>>, vector<16xi32>,
    %mul3A_26 = arith.muli %shift_right_arithmetic3A_23, %get3A_25 : vector<16xi32>
    %get3A_27 = arith.constant 16 : index
    %get3A_28 = tpu.vector_load %arg8[%get3A_27] {strides = array<i32>} : memref<128xi32, #tpu.memory_space<vmem>>, vector<16xi32>,
    %shift_right_arithmetic3A_29 = arith.constant 1 : i32
    %shift_right_arithmetic3A_30 = vector.broadcast %shift_right_arithmetic3A_29 : i32 to vector<16xi32>
    %shift_right_arithmetic3A_31 = arith.shrsi %get3A_28, %shift_right_arithmetic3A_30 : vector<16xi32>
    %get3A_32 = arith.constant 16 : index
    %get3A_33 = tpu.vector_load %arg9[%get3A_32] {strides = array<i32>} : memref<128xi32, #tpu.memory_space<vmem>>, vector<16xi32>,
    %mul3A_34 = arith.muli %shift_right_arithmetic3A_31, %get3A_33 : vector<16xi32>
    %get3A_35 = arith.constant 32 : index
    %get3A_36 = tpu.vector_load %arg8[%get3A_35] {strides = array<i32>} : memref<128xi32, #tpu.memory_space<vmem>>, vector<16xi32>,
    %shift_right_arithmetic3A_37 = arith.constant 1 : i32
    %shift_right_arithmetic3A_38 = vector.broadcast %shift_right_arithmetic3A_37 : i32 to vector<16xi32>
    %shift_right_arithmetic3A_39 = arith.shrsi %get3A_36, %shift_right_arithmetic3A_38 : vector<16xi32>
    %get3A_40 = arith.constant 32 : index
    %get3A_41 = tpu.vector_load %arg9[%get3A_40] {strides = array<i32>} : memref<128xi32, #tpu.memory_space<vmem>>, vector<16xi32>,
    %mul3A_42 = arith.muli %shift_right_arithmetic3A_39, %get3A_41 : vector<16xi32>
    %get3A_43 = arith.constant 48 : index
    %get3A_44 = tpu.vector_load %arg8[%get3A_43] {strides = array<i32>} : memref<128xi32, #tpu.memory_space<vmem>>, vector<16xi32>,
    %shift_right_arithmetic3A_45 = arith.constant 1 : i32
    %shift_right_arithmetic3A_46 = vector.broadcast %shift_right_arithmetic3A_45 : i32 to vector<16xi32>
    %shift_right_arithmetic3A_47 = arith.shrsi %get3A_44, %shift_right_arithmetic3A_46 : vector<16xi32>
    %get3A_48 = arith.constant 48 : index
    %get3A_49 = tpu.vector_load %arg9[%get3A_48] {strides = array<i32>} : memref<128xi32, #tpu.memory_space<vmem>>, vector<16xi32>,
    %mul3A_50 = arith.muli %shift_right_arithmetic3A_47, %get3A_49 : vector<16xi32>
    %get3A_51 = arith.constant 64 : index
    %get3A_52 = tpu.vector_load %arg8[%get3A_51] {strides = array<i32>} : memref<128xi32, #tpu.memory_space<vmem>>, vector<16xi32>,
    %shift_right_arithmetic3A_53 = arith.constant 1 : i32
    %shift_right_arithmetic3A_54 = vector.broadcast %shift_right_arithmetic3A_53 : i32 to vector<16xi32>
    %shift_right_arithmetic3A_55 = arith.shrsi %get3A_52, %shift_right_arithmetic3A_54 : vector<16xi32>
    %get3A_56 = arith.constant 64 : index
    %get3A_57 = tpu.vector_load %arg9[%get3A_56] {strides = array<i32>} : memref<128xi32, #tpu.memory_space<vmem>>, vector<16xi32>,
    %mul3A_58 = arith.muli %shift_right_arithmetic3A_55, %get3A_57 : vector<16xi32>
    %get3A_59 = arith.constant 80 : index
    %get3A_60 = tpu.vector_load %arg8[%get3A_59] {strides = array<i32>} : memref<128xi32, #tpu.memory_space<vmem>>, vector<16xi32>,
    %shift_right_arithmetic3A_61 = arith.constant 1 : i32
    %shift_right_arithmetic3A_62 = vector.broadcast %shift_right_arithmetic3A_61 : i32 to vector<16xi32>
    %shift_right_arithmetic3A_63 = arith.shrsi %get3A_60, %shift_right_arithmetic3A_62 : vector<16xi32>
    %get3A_64 = arith.constant 80 : index
    %get3A_65 = tpu.vector_load %arg9[%get3A_64] {strides = array<i32>} : memref<128xi32, #tpu.memory_space<vmem>>, vector<16xi32>,
    %mul3A_66 = arith.muli %shift_right_arithmetic3A_63, %get3A_65 : vector<16xi32>
    %get3A_67 = arith.constant 96 : index
    %get3A_68 = tpu.vector_load %arg8[%get3A_67] {strides = array<i32>} : memref<128xi32, #tpu.memory_space<vmem>>, vector<16xi32>,
    %shift_right_arithmetic3A_69 = arith.constant 1 : i32
    %shift_right_arithmetic3A_70 = vector.broadcast %shift_right_arithmetic3A_69 : i32 to vector<16xi32>
    %shift_right_arithmetic3A_71 = arith.shrsi %get3A_68, %shift_right_arithmetic3A_70 : vector<16xi32>
    %get3A_72 = arith.constant 96 : index
    %get3A_73 = tpu.vector_load %arg9[%get3A_72] {strides = array<i32>} : memref<128xi32, #tpu.memory_space<vmem>>, vector<16xi32>,
    %mul3A_74 = arith.muli %shift_right_arithmetic3A_71, %get3A_73 : vector<16xi32>
    %get3A_75 = arith.constant 112 : index
    %get3A_76 = tpu.vector_load %arg8[%get3A_75] {strides = array<i32>} : memref<128xi32, #tpu.memory_space<vmem>>, vector<16xi32>,
    %shift_right_arithmetic3A_77 = arith.constant 1 : i32
    %shift_right_arithmetic3A_78 = vector.broadcast %shift_right_arithmetic3A_77 : i32 to vector<16xi32>
    %shift_right_arithmetic3A_79 = arith.shrsi %get3A_76, %shift_right_arithmetic3A_78 : vector<16xi32>
    %get3A_80 = arith.constant 112 : index
    %get3A_81 = tpu.vector_load %arg9[%get3A_80] {strides = array<i32>} : memref<128xi32, #tpu.memory_space<vmem>>, vector<16xi32>,
    %mul3A_82 = arith.muli %shift_right_arithmetic3A_79, %get3A_81 : vector<16xi32>
    %add3A_83 = arith.constant 0 : i32
    %add3A_84 = vector.broadcast %add3A_83 : i32 to vector<16xi32>
    %add3A_85 = arith.addi %iota3A, %add3A_84 : vector<16xi32>
    %add3A_86 = arith.constant 16 : i32
    %add3A_87 = vector.broadcast %add3A_86 : i32 to vector<16xi32>
    %add3A_88 = arith.addi %iota3A, %add3A_87 : vector<16xi32>
    %add3A_89 = arith.constant 32 : i32
    %add3A_90 = vector.broadcast %add3A_89 : i32 to vector<16xi32>
    %add3A_91 = arith.addi %iota3A, %add3A_90 : vector<16xi32>
    %add3A_92 = arith.constant 48 : i32
    %add3A_93 = vector.broadcast %add3A_92 : i32 to vector<16xi32>
    %add3A_94 = arith.addi %iota3A, %add3A_93 : vector<16xi32>
    %add3A_95 = arith.constant 64 : i32
    %add3A_96 = vector.broadcast %add3A_95 : i32 to vector<16xi32>
    %add3A_97 = arith.addi %iota3A, %add3A_96 : vector<16xi32>
    %add3A_98 = arith.constant 80 : i32
    %add3A_99 = vector.broadcast %add3A_98 : i32 to vector<16xi32>
    %add3A_100 = arith.addi %iota3A, %add3A_99 : vector<16xi32>
    %add3A_101 = arith.constant 96 : i32
    %add3A_102 = vector.broadcast %add3A_101 : i32 to vector<16xi32>
    %add3A_103 = arith.addi %iota3A, %add3A_102 : vector<16xi32>
    %add3A_104 = arith.constant 112 : i32
    %add3A_105 = vector.broadcast %add3A_104 : i32 to vector<16xi32>
    %add3A_106 = arith.addi %iota3A, %add3A_105 : vector<16xi32>
    %broadcast_in_dim3A = arith.constant 0 : i32
    %broadcast_in_dim3A_107 = vector.broadcast %broadcast_in_dim3A : i32 to vector<16xi32>
    %add3A_108 = arith.addi %broadcast_in_dim3A_107, %mul3A_26 : vector<16xi32>
    %add3A_109 = arith.addi %add3A_108, %mul3A_34 : vector<16xi32>
    %add3A_110 = arith.addi %add3A_109, %mul3A_42 : vector<16xi32>
    %add3A_111 = arith.addi %add3A_110, %mul3A_50 : vector<16xi32>
    %add3A_112 = arith.addi %add3A_111, %mul3A_58 : vector<16xi32>
    %add3A_113 = arith.addi %add3A_112, %mul3A_66 : vector<16xi32>
    %add3A_114 = arith.addi %add3A_113, %mul3A_74 : vector<16xi32>
    %add3A_115 = arith.addi %add3A_114, %mul3A_82 : vector<16xi32>
    %broadcast_in_dim3A_116 = arith.constant 0.000000e+00 : f32
    %broadcast_in_dim3A_117 = vector.broadcast %broadcast_in_dim3A_116 : f32 to vector<16xf32>
    %scan3A = arith.constant 0 : i32
    %scan3A_118 = arith.constant 99 : i32
    %scan3A_119 = arith.addi %scan3A, %scan3A_118 : i32
    %scan3A_120 = arith.constant 1 : i32
    %scan3A_121:9 = scf.for %scan3A_196 = %scan3A to %scan3A_119 step %scan3A_120 iter_args(%scan3A_197 = %broadcast_in_dim3A_117, %scan3A_198 = %broadcast_in_dim3A_117, %scan3A_199 = %broadcast_in_dim3A_117, %scan3A_200 = %broadcast_in_dim3A_117, %scan3A_201 = %broadcast_in_dim3A_117, %scan3A_202 = %broadcast_in_dim3A_117, %scan3A_203 = %broadcast_in_dim3A_117, %scan3A_204 = %broadcast_in_dim3A_117, %scan3A_205 = %broadcast_in_dim3A_117) -> (vector<16xf32>, vector<16xf32>, vector<16xf32>, vector<16xf32>, vector<16xf32>, vector<16xf32>, vector<16xf32>, vector<16xf32>, vector<16xf32>)  : i32 {
      %broadcast_in_dim3A_206 = vector.broadcast %scan3A_196 : i32 to vector<16xi32>
      %get3A_207 = arith.index_cast %scan3A_196 : i32 to index
      %get3A_208 = arith.constant 0 : index
      %get3A_209 = tpu.vector_load %arg7[%get3A_207, %get3A_208] {strides = array<i32>} : memref<200x128xf32, #tpu.memory_space<vmem>>, vector<16xf32>,
      %add3A_210 = arith.addf %scan3A_198, %get3A_209 : vector<16xf32>
      %lt3A = arith.cmpi slt, %broadcast_in_dim3A_206, %mul3A_26 : vector<16xi32>
      %add3A_211 = arith.addi %broadcast_in_dim3A_206, %mul3A_26 : vector<16xi32>
      %gather3A = tpu.vector_load_idx %arg7[%add3A_211, %add3A_85] masked %lt3A : memref<200x128xf32, #tpu.memory_space<vmem>>[vector<16xi32>, vector<16xi32>], vector<16xf32>, vector<16xi1>
      %sub3A_212 = arith.subf %get3A_209, %gather3A : vector<16xf32>
      %mul3A_213 = arith.mulf %sub3A_212, %sub3A_212 : vector<16xf32>
      %jit3A_214 = arith.constant 0.000000e+00 : f32
      %broadcast_in_dim3A_215 = vector.broadcast %jit3A_214 : f32 to vector<16xf32>
      %select_n3A_216 = arith.select %lt3A, %mul3A_213, %broadcast_in_dim3A_215 : vector<16xi1>, vector<16xf32>
      %add3A_217 = arith.addf %scan3A_197, %select_n3A_216 : vector<16xf32>
      %get3A_218 = arith.index_cast %scan3A_196 : i32 to index
      %get3A_219 = arith.constant 16 : index
      %get3A_220 = tpu.vector_load %arg7[%get3A_218, %get3A_219] {strides = array<i32>} : memref<200x128xf32, #tpu.memory_space<vmem>>, vector<16xf32>,
      %add3A_221 = arith.addf %scan3A_199, %get3A_220 : vector<16xf32>
      %lt3A_222 = arith.cmpi slt, %broadcast_in_dim3A_206, %mul3A_34 : vector<16xi32>
      %add3A_223 = arith.addi %broadcast_in_dim3A_206, %mul3A_34 : vector<16xi32>
      %gather3A_224 = tpu.vector_load_idx %arg7[%add3A_223, %add3A_88] masked %lt3A_222 : memref<200x128xf32, #tpu.memory_space<vmem>>[vector<16xi32>, vector<16xi32>], vector<16xf32>, vector<16xi1>
      %sub3A_225 = arith.subf %get3A_220, %gather3A_224 : vector<16xf32>
      %mul3A_226 = arith.mulf %sub3A_225, %sub3A_225 : vector<16xf32>
      %jit3A_227 = arith.constant 0.000000e+00 : f32
      %broadcast_in_dim3A_228 = vector.broadcast %jit3A_227 : f32 to vector<16xf32>
      %select_n3A_229 = arith.select %lt3A_222, %mul3A_226, %broadcast_in_dim3A_228 : vector<16xi1>, vector<16xf32>
      %add3A_230 = arith.addf %add3A_217, %select_n3A_229 : vector<16xf32>
      %get3A_231 = arith.index_cast %scan3A_196 : i32 to index
      %get3A_232 = arith.constant 32 : index
      %get3A_233 = tpu.vector_load %arg7[%get3A_231, %get3A_232] {strides = array<i32>} : memref<200x128xf32, #tpu.memory_space<vmem>>, vector<16xf32>,
      %add3A_234 = arith.addf %scan3A_200, %get3A_233 : vector<16xf32>
      %lt3A_235 = arith.cmpi slt, %broadcast_in_dim3A_206, %mul3A_42 : vector<16xi32>
      %add3A_236 = arith.addi %broadcast_in_dim3A_206, %mul3A_42 : vector<16xi32>
      %gather3A_237 = tpu.vector_load_idx %arg7[%add3A_236, %add3A_91] masked %lt3A_235 : memref<200x128xf32, #tpu.memory_space<vmem>>[vector<16xi32>, vector<16xi32>], vector<16xf32>, vector<16xi1>
      %sub3A_238 = arith.subf %get3A_233, %gather3A_237 : vector<16xf32>
      %mul3A_239 = arith.mulf %sub3A_238, %sub3A_238 : vector<16xf32>
      %jit3A_240 = arith.constant 0.000000e+00 : f32
      %broadcast_in_dim3A_241 = vector.broadcast %jit3A_240 : f32 to vector<16xf32>
      %select_n3A_242 = arith.select %lt3A_235, %mul3A_239, %broadcast_in_dim3A_241 : vector<16xi1>, vector<16xf32>
      %add3A_243 = arith.addf %add3A_230, %select_n3A_242 : vector<16xf32>
      %get3A_244 = arith.index_cast %scan3A_196 : i32 to index
      %get3A_245 = arith.constant 48 : index
      %get3A_246 = tpu.vector_load %arg7[%get3A_244, %get3A_245] {strides = array<i32>} : memref<200x128xf32, #tpu.memory_space<vmem>>, vector<16xf32>,
      %add3A_247 = arith.addf %scan3A_201, %get3A_246 : vector<16xf32>
      %lt3A_248 = arith.cmpi slt, %broadcast_in_dim3A_206, %mul3A_50 : vector<16xi32>
      %add3A_249 = arith.addi %broadcast_in_dim3A_206, %mul3A_50 : vector<16xi32>
      %gather3A_250 = tpu.vector_load_idx %arg7[%add3A_249, %add3A_94] masked %lt3A_248 : memref<200x128xf32, #tpu.memory_space<vmem>>[vector<16xi32>, vector<16xi32>], vector<16xf32>, vector<16xi1>
      %sub3A_251 = arith.subf %get3A_246, %gather3A_250 : vector<16xf32>
      %mul3A_252 = arith.mulf %sub3A_251, %sub3A_251 : vector<16xf32>
      %jit3A_253 = arith.constant 0.000000e+00 : f32
      %broadcast_in_dim3A_254 = vector.broadcast %jit3A_253 : f32 to vector<16xf32>
      %select_n3A_255 = arith.select %lt3A_248, %mul3A_252, %broadcast_in_dim3A_254 : vector<16xi1>, vector<16xf32>
      %add3A_256 = arith.addf %add3A_243, %select_n3A_255 : vector<16xf32>
      %get3A_257 = arith.index_cast %scan3A_196 : i32 to index
      %get3A_258 = arith.constant 64 : index
      %get3A_259 = tpu.vector_load %arg7[%get3A_257, %get3A_258] {strides = array<i32>} : memref<200x128xf32, #tpu.memory_space<vmem>>, vector<16xf32>,
      %add3A_260 = arith.addf %scan3A_202, %get3A_259 : vector<16xf32>
      %lt3A_261 = arith.cmpi slt, %broadcast_in_dim3A_206, %mul3A_58 : vector<16xi32>
      %add3A_262 = arith.addi %broadcast_in_dim3A_206, %mul3A_58 : vector<16xi32>
      %gather3A_263 = tpu.vector_load_idx %arg7[%add3A_262, %add3A_97] masked %lt3A_261 : memref<200x128xf32, #tpu.memory_space<vmem>>[vector<16xi32>, vector<16xi32>], vector<16xf32>, vector<16xi1>
      %sub3A_264 = arith.subf %get3A_259, %gather3A_263 : vector<16xf32>
      %mul3A_265 = arith.mulf %sub3A_264, %sub3A_264 : vector<16xf32>
      %jit3A_266 = arith.constant 0.000000e+00 : f32
      %broadcast_in_dim3A_267 = vector.broadcast %jit3A_266 : f32 to vector<16xf32>
      %select_n3A_268 = arith.select %lt3A_261, %mul3A_265, %broadcast_in_dim3A_267 : vector<16xi1>, vector<16xf32>
      %add3A_269 = arith.addf %add3A_256, %select_n3A_268 : vector<16xf32>
      %get3A_270 = arith.index_cast %scan3A_196 : i32 to index
      %get3A_271 = arith.constant 80 : index
      %get3A_272 = tpu.vector_load %arg7[%get3A_270, %get3A_271] {strides = array<i32>} : memref<200x128xf32, #tpu.memory_space<vmem>>, vector<16xf32>,
      %add3A_273 = arith.addf %scan3A_203, %get3A_272 : vector<16xf32>
      %lt3A_274 = arith.cmpi slt, %broadcast_in_dim3A_206, %mul3A_66 : vector<16xi32>
      %add3A_275 = arith.addi %broadcast_in_dim3A_206, %mul3A_66 : vector<16xi32>
      %gather3A_276 = tpu.vector_load_idx %arg7[%add3A_275, %add3A_100] masked %lt3A_274 : memref<200x128xf32, #tpu.memory_space<vmem>>[vector<16xi32>, vector<16xi32>], vector<16xf32>, vector<16xi1>
      %sub3A_277 = arith.subf %get3A_272, %gather3A_276 : vector<16xf32>
      %mul3A_278 = arith.mulf %sub3A_277, %sub3A_277 : vector<16xf32>
      %jit3A_279 = arith.constant 0.000000e+00 : f32
      %broadcast_in_dim3A_280 = vector.broadcast %jit3A_279 : f32 to vector<16xf32>
      %select_n3A_281 = arith.select %lt3A_274, %mul3A_278, %broadcast_in_dim3A_280 : vector<16xi1>, vector<16xf32>
      %add3A_282 = arith.addf %add3A_269, %select_n3A_281 : vector<16xf32>
      %get3A_283 = arith.index_cast %scan3A_196 : i32 to index
      %get3A_284 = arith.constant 96 : index
      %get3A_285 = tpu.vector_load %arg7[%get3A_283, %get3A_284] {strides = array<i32>} : memref<200x128xf32, #tpu.memory_space<vmem>>, vector<16xf32>,
      %add3A_286 = arith.addf %scan3A_204, %get3A_285 : vector<16xf32>
      %lt3A_287 = arith.cmpi slt, %broadcast_in_dim3A_206, %mul3A_74 : vector<16xi32>
      %add3A_288 = arith.addi %broadcast_in_dim3A_206, %mul3A_74 : vector<16xi32>
      %gather3A_289 = tpu.vector_load_idx %arg7[%add3A_288, %add3A_103] masked %lt3A_287 : memref<200x128xf32, #tpu.memory_space<vmem>>[vector<16xi32>, vector<16xi32>], vector<16xf32>, vector<16xi1>
      %sub3A_290 = arith.subf %get3A_285, %gather3A_289 : vector<16xf32>
      %mul3A_291 = arith.mulf %sub3A_290, %sub3A_290 : vector<16xf32>
      %jit3A_292 = arith.constant 0.000000e+00 : f32
      %broadcast_in_dim3A_293 = vector.broadcast %jit3A_292 : f32 to vector<16xf32>
      %select_n3A_294 = arith.select %lt3A_287, %mul3A_291, %broadcast_in_dim3A_293 : vector<16xi1>, vector<16xf32>
      %add3A_295 = arith.addf %add3A_282, %select_n3A_294 : vector<16xf32>
      %get3A_296 = arith.index_cast %scan3A_196 : i32 to index
      %get3A_297 = arith.constant 112 : index
      %get3A_298 = tpu.vector_load %arg7[%get3A_296, %get3A_297] {strides = array<i32>} : memref<200x128xf32, #tpu.memory_space<vmem>>, vector<16xf32>,
      %add3A_299 = arith.addf %scan3A_205, %get3A_298 : vector<16xf32>
      %lt3A_300 = arith.cmpi slt, %broadcast_in_dim3A_206, %mul3A_82 : vector<16xi32>
      %add3A_301 = arith.addi %broadcast_in_dim3A_206, %mul3A_82 : vector<16xi32>
      %gather3A_302 = tpu.vector_load_idx %arg7[%add3A_301, %add3A_106] masked %lt3A_300 : memref<200x128xf32, #tpu.memory_space<vmem>>[vector<16xi32>, vector<16xi32>], vector<16xf32>, vector<16xi1>
      %sub3A_303 = arith.subf %get3A_298, %gather3A_302 : vector<16xf32>
      %mul3A_304 = arith.mulf %sub3A_303, %sub3A_303 : vector<16xf32>
      %jit3A_305 = arith.constant 0.000000e+00 : f32
      %broadcast_in_dim3A_306 = vector.broadcast %jit3A_305 : f32 to vector<16xf32>
      %select_n3A_307 = arith.select %lt3A_300, %mul3A_304, %broadcast_in_dim3A_306 : vector<16xi1>, vector<16xf32>
      %add3A_308 = arith.addf %add3A_295, %select_n3A_307 : vector<16xf32>
      scf.yield %add3A_308, %add3A_210, %add3A_221, %add3A_234, %add3A_247, %add3A_260, %add3A_273, %add3A_286, %add3A_299 : vector<16xf32>, vector<16xf32>, vector<16xf32>, vector<16xf32>, vector<16xf32>, vector<16xf32>, vector<16xf32>, vector<16xf32>, vector<16xf32>
    }
    %scan3A_122 = arith.constant 99 : i32
    %scan3A_123 = arith.constant 99 : i32
    %scan3A_124 = arith.constant 101 : i32
    %scan3A_125 = arith.addi %scan3A_123, %scan3A_124 : i32
    %scan3A_126 = arith.constant 1 : i32
    %scan3A_127:8 = scf.for %scan3A_196 = %scan3A_123 to %scan3A_125 step %scan3A_126 iter_args(%scan3A_197 = %scan3A_121#1, %scan3A_198 = %scan3A_121#2, %scan3A_199 = %scan3A_121#3, %scan3A_200 = %scan3A_121#4, %scan3A_201 = %scan3A_121#5, %scan3A_202 = %scan3A_121#6, %scan3A_203 = %scan3A_121#7, %scan3A_204 = %scan3A_121#8) -> (vector<16xf32>, vector<16xf32>, vector<16xf32>, vector<16xf32>, vector<16xf32>, vector<16xf32>, vector<16xf32>, vector<16xf32>)  : i32 {
      %get3A_205 = arith.index_cast %scan3A_196 : i32 to index
      %get3A_206 = arith.constant 0 : index
      %get3A_207 = tpu.vector_load %arg7[%get3A_205, %get3A_206] {strides = array<i32>} : memref<200x128xf32, #tpu.memory_space<vmem>>, vector<16xf32>,
      %add3A_208 = arith.addf %scan3A_197, %get3A_207 : vector<16xf32>
      %get3A_209 = arith.index_cast %scan3A_196 : i32 to index
      %get3A_210 = arith.constant 16 : index
      %get3A_211 = tpu.vector_load %arg7[%get3A_209, %get3A_210] {strides = array<i32>} : memref<200x128xf32, #tpu.memory_space<vmem>>, vector<16xf32>,
      %add3A_212 = arith.addf %scan3A_198, %get3A_211 : vector<16xf32>
      %get3A_213 = arith.index_cast %scan3A_196 : i32 to index
      %get3A_214 = arith.constant 32 : index
      %get3A_215 = tpu.vector_load %arg7[%get3A_213, %get3A_214] {strides = array<i32>} : memref<200x128xf32, #tpu.memory_space<vmem>>, vector<16xf32>,
      %add3A_216 = arith.addf %scan3A_199, %get3A_215 : vector<16xf32>
      %get3A_217 = arith.index_cast %scan3A_196 : i32 to index
      %get3A_218 = arith.constant 48 : index
      %get3A_219 = tpu.vector_load %arg7[%get3A_217, %get3A_218] {strides = array<i32>} : memref<200x128xf32, #tpu.memory_space<vmem>>, vector<16xf32>,
      %add3A_220 = arith.addf %scan3A_200, %get3A_219 : vector<16xf32>
      %get3A_221 = arith.index_cast %scan3A_196 : i32 to index
      %get3A_222 = arith.constant 64 : index
      %get3A_223 = tpu.vector_load %arg7[%get3A_221, %get3A_222] {strides = array<i32>} : memref<200x128xf32, #tpu.memory_space<vmem>>, vector<16xf32>,
      %add3A_224 = arith.addf %scan3A_201, %get3A_223 : vector<16xf32>
      %get3A_225 = arith.index_cast %scan3A_196 : i32 to index
      %get3A_226 = arith.constant 80 : index
      %get3A_227 = tpu.vector_load %arg7[%get3A_225, %get3A_226] {strides = array<i32>} : memref<200x128xf32, #tpu.memory_space<vmem>>, vector<16xf32>,
      %add3A_228 = arith.addf %scan3A_202, %get3A_227 : vector<16xf32>
      %get3A_229 = arith.index_cast %scan3A_196 : i32 to index
      %get3A_230 = arith.constant 96 : index
      %get3A_231 = tpu.vector_load %arg7[%get3A_229, %get3A_230] {strides = array<i32>} : memref<200x128xf32, #tpu.memory_space<vmem>>, vector<16xf32>,
      %add3A_232 = arith.addf %scan3A_203, %get3A_231 : vector<16xf32>
      %get3A_233 = arith.index_cast %scan3A_196 : i32 to index
      %get3A_234 = arith.constant 112 : index
      %get3A_235 = tpu.vector_load %arg7[%get3A_233, %get3A_234] {strides = array<i32>} : memref<200x128xf32, #tpu.memory_space<vmem>>, vector<16xf32>,
      %add3A_236 = arith.addf %scan3A_204, %get3A_235 : vector<16xf32>
      scf.yield %add3A_208, %add3A_212, %add3A_216, %add3A_220, %add3A_224, %add3A_228, %add3A_232, %add3A_236 : vector<16xf32>, vector<16xf32>, vector<16xf32>, vector<16xf32>, vector<16xf32>, vector<16xf32>, vector<16xf32>, vector<16xf32>
    }
    %scan3A_128 = arith.constant 101 : i32
    %broadcast_in_dim3A_129 = arith.constant 0.000000e+00 : f32
    %broadcast_in_dim3A_130 = vector.broadcast %broadcast_in_dim3A_129 : f32 to vector<16xf32>
    %get3A_131 = arith.constant 0 : index
    %get3A_132 = tpu.vector_load %arg10[%get3A_131] {strides = array<i32>} : memref<128xf32, #tpu.memory_space<vmem>>, vector<16xf32>,
    %sub3A = arith.subf %scan3A_127#0, %get3A_132 : vector<16xf32>
    %mul3A_133 = arith.mulf %sub3A, %sub3A : vector<16xf32>
    %add3A_134 = arith.addf %broadcast_in_dim3A_130, %mul3A_133 : vector<16xf32>
    %get3A_135 = arith.constant 16 : index
    %get3A_136 = tpu.vector_load %arg10[%get3A_135] {strides = array<i32>} : memref<128xf32, #tpu.memory_space<vmem>>, vector<16xf32>,
    %sub3A_137 = arith.subf %scan3A_127#1, %get3A_136 : vector<16xf32>
    %mul3A_138 = arith.mulf %sub3A_137, %sub3A_137 : vector<16xf32>
    %add3A_139 = arith.addf %add3A_134, %mul3A_138 : vector<16xf32>
    %get3A_140 = arith.constant 32 : index
    %get3A_141 = tpu.vector_load %arg10[%get3A_140] {strides = array<i32>} : memref<128xf32, #tpu.memory_space<vmem>>, vector<16xf32>,
    %sub3A_142 = arith.subf %scan3A_127#2, %get3A_141 : vector<16xf32>
    %mul3A_143 = arith.mulf %sub3A_142, %sub3A_142 : vector<16xf32>
    %add3A_144 = arith.addf %add3A_139, %mul3A_143 : vector<16xf32>
    %get3A_145 = arith.constant 48 : index
    %get3A_146 = tpu.vector_load %arg10[%get3A_145] {strides = array<i32>} : memref<128xf32, #tpu.memory_space<vmem>>, vector<16xf32>,
    %sub3A_147 = arith.subf %scan3A_127#3, %get3A_146 : vector<16xf32>
    %mul3A_148 = arith.mulf %sub3A_147, %sub3A_147 : vector<16xf32>
    %add3A_149 = arith.addf %add3A_144, %mul3A_148 : vector<16xf32>
    %get3A_150 = arith.constant 64 : index
    %get3A_151 = tpu.vector_load %arg10[%get3A_150] {strides = array<i32>} : memref<128xf32, #tpu.memory_space<vmem>>, vector<16xf32>,
    %sub3A_152 = arith.subf %scan3A_127#4, %get3A_151 : vector<16xf32>
    %mul3A_153 = arith.mulf %sub3A_152, %sub3A_152 : vector<16xf32>
    %add3A_154 = arith.addf %add3A_149, %mul3A_153 : vector<16xf32>
    %get3A_155 = arith.constant 80 : index
    %get3A_156 = tpu.vector_load %arg10[%get3A_155] {strides = array<i32>} : memref<128xf32, #tpu.memory_space<vmem>>, vector<16xf32>,
    %sub3A_157 = arith.subf %scan3A_127#5, %get3A_156 : vector<16xf32>
    %mul3A_158 = arith.mulf %sub3A_157, %sub3A_157 : vector<16xf32>
    %add3A_159 = arith.addf %add3A_154, %mul3A_158 : vector<16xf32>
    %get3A_160 = arith.constant 96 : index
    %get3A_161 = tpu.vector_load %arg10[%get3A_160] {strides = array<i32>} : memref<128xf32, #tpu.memory_space<vmem>>, vector<16xf32>,
    %sub3A_162 = arith.subf %scan3A_127#6, %get3A_161 : vector<16xf32>
    %mul3A_163 = arith.mulf %sub3A_162, %sub3A_162 : vector<16xf32>
    %add3A_164 = arith.addf %add3A_159, %mul3A_163 : vector<16xf32>
    %get3A_165 = arith.constant 112 : index
    %get3A_166 = tpu.vector_load %arg10[%get3A_165] {strides = array<i32>} : memref<128xf32, #tpu.memory_space<vmem>>, vector<16xf32>,
    %sub3A_167 = arith.subf %scan3A_127#7, %get3A_166 : vector<16xf32>
    %mul3A_168 = arith.mulf %sub3A_167, %sub3A_167 : vector<16xf32>
    %add3A_169 = arith.addf %add3A_164, %mul3A_168 : vector<16xf32>
    %reduce_sum3A = arith.constant true
    %reduce_sum3A_170 = vector.broadcast %reduce_sum3A : i1 to vector<16xi1>
    %reduce_sum3A_171 = tpu.scan <sum>, %scan3A_121#0 masked %reduce_sum3A_170 : vector<16xf32>, vector<16xi1> -> vector<16xf32>
    %reduce_sum3A_172 = vector.extract %reduce_sum3A_171[15] : f32 from vector<16xf32>
    %reduce_sum3A_173 = arith.constant true
    %reduce_sum3A_174 = vector.broadcast %reduce_sum3A_173 : i1 to vector<16xi1>
    %reduce_sum3A_175 = tpu.scan <sum>, %add3A_115 masked %reduce_sum3A_174 : vector<16xi32>, vector<16xi1> -> vector<16xi32>
    %reduce_sum3A_176 = vector.extract %reduce_sum3A_175[15] : i32 from vector<16xi32>
    %convert_element_type3A = arith.sitofp %reduce_sum3A_176 : i32 to f32
    %reduce_sum3A_177 = arith.constant true
    %reduce_sum3A_178 = vector.broadcast %reduce_sum3A_177 : i1 to vector<16xi1>
    %reduce_sum3A_179 = tpu.scan <sum>, %add3A_169 masked %reduce_sum3A_178 : vector<16xf32>, vector<16xi1> -> vector<16xf32>
    %reduce_sum3A_180 = vector.extract %reduce_sum3A_179[15] : f32 from vector<16xf32>
    %eq3A = arith.constant 0 : i32
    %eq3A_181 = vector.broadcast %eq3A : i32 to vector<16xi32>
    %eq3A_182 = arith.cmpi eq, %iota3A, %eq3A_181 : vector<16xi32>
    %eq3A_183 = arith.constant 1 : i32
    %eq3A_184 = vector.broadcast %eq3A_183 : i32 to vector<16xi32>
    %eq3A_185 = arith.cmpi eq, %iota3A, %eq3A_184 : vector<16xi32>
    %eq3A_186 = arith.constant 2 : i32
    %eq3A_187 = vector.broadcast %eq3A_186 : i32 to vector<16xi32>
    %eq3A_188 = arith.cmpi eq, %iota3A, %eq3A_187 : vector<16xi32>
    %jit3A = arith.constant 0.000000e+00 : f32
    %broadcast_in_dim3A_189 = vector.broadcast %reduce_sum3A_180 : f32 to vector<16xf32>
    %broadcast_in_dim3A_190 = vector.broadcast %jit3A : f32 to vector<16xf32>
    %select_n3A = arith.select %eq3A_188, %broadcast_in_dim3A_189, %broadcast_in_dim3A_190 : vector<16xi1>, vector<16xf32>
    %broadcast_in_dim3A_191 = vector.broadcast %convert_element_type3A : f32 to vector<16xf32>
    %select_n3A_192 = arith.select %eq3A_185, %broadcast_in_dim3A_191, %select_n3A : vector<16xi1>, vector<16xf32>
    %broadcast_in_dim3A_193 = vector.broadcast %reduce_sum3A_172 : f32 to vector<16xf32>
    %select_n3A_194 = arith.select %eq3A_182, %broadcast_in_dim3A_193, %select_n3A_192 : vector<16xi1>, vector<16xf32>
    %swap3A = arith.constant 0 : index
    %swap3A_195 = tpu.vector_load %arg11[%swap3A] {strides = array<i32>} : memref<16xf32, #tpu.memory_space<vmem>>, vector<16xf32>,
    tpu.vector_store %arg11[%swap3A], %select_n3A_194 {strides = array<i32>} : memref<16xf32, #tpu.memory_space<vmem>>, vector<16xf32>,
    "tpu.region"() ({
      %run_scoped3A = tpu.sem_alloc : memref<!tpu.dma_semaphore, #tpu.memory_space<semaphore_mem>>
      %dma_start3A_196 = arith.constant 0 : i32
      %dma_start3A_197 = tpu.memref_slice %arg6[%add3A, %dma_start3A_196] : memref<32x16xf32, #tpu.memory_space<hbm>> -> memref<1x16xf32, #tpu.memory_space<hbm>>
      %dma_start3A_198 = tpu.memref_squeeze %dma_start3A_197 : memref<1x16xf32, #tpu.memory_space<hbm>> -> memref<16xf32, #tpu.memory_space<hbm>>
      %dma_start3A_199 = arith.constant 0 : i32
      %dma_start3A_200 = tpu.memref_slice %arg6[%add3A, %dma_start3A_199] : memref<32x16xf32, #tpu.memory_space<hbm>> -> memref<1x16xf32, #tpu.memory_space<hbm>>
      %dma_start3A_201 = tpu.memref_squeeze %dma_start3A_200 : memref<1x16xf32, #tpu.memory_space<hbm>> -> memref<16xf32, #tpu.memory_space<hbm>>
      tpu.enqueue_dma source(%arg11 : memref<16xf32, #tpu.memory_space<vmem>>) target(%dma_start3A_201 : memref<16xf32, #tpu.memory_space<hbm>>) target_semaphore(%run_scoped3A : memref<!tpu.dma_semaphore, #tpu.memory_space<semaphore_mem>>)
      %dma_wait3A_202 = arith.constant 0 : i32
      %dma_wait3A_203 = tpu.memref_slice %arg6[%add3A, %dma_wait3A_202] : memref<32x16xf32, #tpu.memory_space<hbm>> -> memref<1x16xf32, #tpu.memory_space<hbm>>
      %dma_wait3A_204 = tpu.memref_squeeze %dma_wait3A_203 : memref<1x16xf32, #tpu.memory_space<hbm>> -> memref<16xf32, #tpu.memory_space<hbm>>
      %dma_wait3A_205 = arith.constant 0 : i32
      %dma_wait3A_206 = tpu.memref_slice %arg6[%add3A, %dma_wait3A_205] : memref<32x16xf32, #tpu.memory_space<hbm>> -> memref<1x16xf32, #tpu.memory_space<hbm>>
      %dma_wait3A_207 = tpu.memref_squeeze %dma_wait3A_206 : memref<1x16xf32, #tpu.memory_space<hbm>> -> memref<16xf32, #tpu.memory_space<hbm>>
      tpu.wait_dma2 semaphore(%run_scoped3A : memref<!tpu.dma_semaphore, #tpu.memory_space<semaphore_mem>>) src(%arg11 : memref<16xf32, #tpu.memory_space<vmem>>) dst(%dma_wait3A_207 : memref<16xf32, #tpu.memory_space<hbm>>)
      tpu.yield
    }) : () -> ()
    return
  }
}

module attributes {stable_mosaic.version = 14 : i64} {
  func.func @_combine_body(%arg0: memref<32x16xf32, #tpu.memory_space<vmem>>, %arg1: memref<1x1xf32, #tpu.memory_space<vmem>>) attributes {dimension_semantics = [], scalar_prefetch = 0 : i64, scratch_operands = 0 : i64, tpu.core_type = #tpu.core_type<tc>} {
    %get3A = arith.constant 0 : index
    %get3A_0 = arith.constant 0 : index
    %get3A_1 = vector.load %arg0[%get3A, %get3A_0] : memref<32x16xf32, #tpu.memory_space<vmem>>, vector<32x16xf32>
    %slice3A = vector.extract_strided_slice %get3A_1 {offsets = [0, 0], sizes = [32, 1], strides = [1, 1]} : vector<32x16xf32> to vector<32x1xf32>
    %squeeze3A = vector.shape_cast %slice3A : vector<32x1xf32> to vector<32xf32>
    %reduce_sum3A = vector.shape_cast %squeeze3A : vector<32xf32> to vector<1x32xf32>
    %reduce_sum3A_2 = arith.constant dense<0.000000e+00> : vector<1xf32>
    %reduce_sum3A_3 = vector.multi_reduction <add>, %reduce_sum3A, %reduce_sum3A_2 [1] : vector<1x32xf32> to vector<1xf32>
    %reduce_sum3A_4 = vector.shape_cast %reduce_sum3A_3 : vector<1xf32> to vector<1x1xf32>
    %reduce_sum3A_5 = vector.extract %reduce_sum3A_4[0, 0] : f32 from vector<1x1xf32>
    %slice3A_6 = vector.extract_strided_slice %get3A_1 {offsets = [0, 1], sizes = [32, 1], strides = [1, 1]} : vector<32x16xf32> to vector<32x1xf32>
    %squeeze3A_7 = vector.shape_cast %slice3A_6 : vector<32x1xf32> to vector<32xf32>
    %reduce_sum3A_8 = vector.shape_cast %squeeze3A_7 : vector<32xf32> to vector<1x32xf32>
    %reduce_sum3A_9 = arith.constant dense<0.000000e+00> : vector<1xf32>
    %reduce_sum3A_10 = vector.multi_reduction <add>, %reduce_sum3A_8, %reduce_sum3A_9 [1] : vector<1x32xf32> to vector<1xf32>
    %reduce_sum3A_11 = vector.shape_cast %reduce_sum3A_10 : vector<1xf32> to vector<1x1xf32>
    %reduce_sum3A_12 = vector.extract %reduce_sum3A_11[0, 0] : f32 from vector<1x1xf32>
    %slice3A_13 = vector.extract_strided_slice %get3A_1 {offsets = [0, 2], sizes = [32, 1], strides = [1, 1]} : vector<32x16xf32> to vector<32x1xf32>
    %squeeze3A_14 = vector.shape_cast %slice3A_13 : vector<32x1xf32> to vector<32xf32>
    %reduce_sum3A_15 = vector.shape_cast %squeeze3A_14 : vector<32xf32> to vector<1x32xf32>
    %reduce_sum3A_16 = arith.constant dense<0.000000e+00> : vector<1xf32>
    %reduce_sum3A_17 = vector.multi_reduction <add>, %reduce_sum3A_15, %reduce_sum3A_16 [1] : vector<1x32xf32> to vector<1xf32>
    %reduce_sum3A_18 = vector.shape_cast %reduce_sum3A_17 : vector<1xf32> to vector<1x1xf32>
    %reduce_sum3A_19 = vector.extract %reduce_sum3A_18[0, 0] : f32 from vector<1x1xf32>
    %div3A = arith.constant 4.096000e+03 : f32
    %div3A_20 = arith.divf %reduce_sum3A_19, %div3A : f32
    %max3A = arith.constant 1.000000e+00 : f32
    %max3A_21 = arith.maximumf %reduce_sum3A_12, %max3A : f32
    %div3A_22 = arith.divf %reduce_sum3A_5, %max3A_21 : f32
    %add3A = arith.addf %div3A_20, %div3A_22 : f32
    %broadcast_in_dim3A = vector.broadcast %add3A : f32 to vector<1x1xf32>
    %swap3A = arith.constant 0 : index
    %swap3A_23 = arith.constant 0 : index
    %swap3A_24 = vector.load %arg1[%swap3A, %swap3A_23] : memref<1x1xf32, #tpu.memory_space<vmem>>, vector<1x1xf32>
    tpu.vector_store %arg1[%swap3A, %swap3A_23], %broadcast_in_dim3A {strides = array<i32>} : memref<1x1xf32, #tpu.memory_space<vmem>>, vector<1x1xf32>,
    return
  }
}

</mosaic_0001>

<sc_bundles>
// kernel: kernel.4.cloned.1.call-start
scs
__scs_entry_jumppad:
0x0: {  	(pc) =	sbr.rel $0x88, $3  }
0x1: {  	(tag) =	ssettag $0x0;
	lr =	simm.s32 $0x1  }
0x2: {  	[smem:$0x3F9D] =	sst lr;
	_ =	strace $0xD0000000  }
0x3: {  	_ = 	snop  }
0x4: {  	_ = 	snop  }
0x5: {  	_ = 	snop  }
0x6: {  	_ = 	snop  }
0x7: {  	_ = 	snop  }
__scs_overlays_trampoline_lowered:
0x8: {  	[smem:$0x3FAC] =	sst s0  }
0x9: {  	[smem:$0x3FAD] =	sst s1  }
0xa: {  	[smem:$0x3FAE] =	sst s2  }
0xb: {  	[smem:$0x3FAF] =	sst s3  }
0xc: {  	[smem:$0x3FB0] =	sst s4  }
0xd: {  	[smem:$0x3FB1] =	sst s5  }
0xe: {  	[smem:$0x3FB2] =	sst s6  }
0xf: {  	[smem:$0x3FB3] =	sst s7  }
0x10: {  	[smem:$0x3FB4] =	sst s8  }
0x11: {  	[smem:$0x3FB5] =	sst s9;
	s0 =	simm.s32 @!p0 $0x0  }
0x12: {  	s1 =	sld [smem:$0x3F9B];
	s0 =	simm.s32 @p0 $0x1  }
0x13: {  	[smem:$0x3FB6] =	sst s0;
	s0 =	simm.s32 @!p1 $0x0  }
0x14: {  	s2 =	sld [smem:$0x3F9A];
	s0 =	simm.s32 @p1 $0x1  }
0x15: {  	[smem:$0x3FB7] =	sst s0;
	s0 =	simm.s32 @!p2 $0x0  }
0x16: {  	s3 =	sld [smem:$0x3FDB];
	s0 =	simm.s32 @p2 $0x1  }
0x17: {  	s4 =	simm.s32 $0x1BF5;
	[smem:$0x3FB9] =	sst s0  }
0x18: {  	s0 =	sld [smem:$0x3F9C];
	_ =	swait.ge [sflag:s4], $0x0  }
0x19: {  	s7 =	sld [smem:$0x3F9D]  }
0x1a: {  	s8 =	sadd.s32 $0xFFFFE003, lr  }
0x1b: {  	s9 =	sadd.s32 $0xFFFFFEF7, lr;
	s5 =	simm.s32 $0xFFFFFFFF;
	p2 =	slt.u32 s8, $0xFFFFF086  }
0x1c: {  	p1 =	slt.u32 s9, $0xF7A;
	s5 =	simm.s32 @!p2 $0x0  }
0x1d: {  	s5 =	simm.s32 @p1 $0x1;
	p0 =	seq.s32 s7, s2  }
0x1e: {  	s7 =	smul.u32 @!p0 $0xF7A, s2;
	p2 =	seq.s32 @!p0 s5, $0x0  }
0x1f: {  	s9 =	smul.u32 $0xF7A, s1;
	s8 =	simm.s32 @!p0 $0x1BF5;
	p2 =	por !p2, p0  }
0x20: {  	[sflag:s8] =	ssyncset.s32 @!p0 $0xFFFFF086;
	s6 =	sadd.s32 @!p0 s3, s7;
	s7 =	simm.s32 @!p0 $0x108  }
0x21: {  	s3 =	sadd.s32 s3, s9;
	s6 =	sadd.s32 @!p0 $0x88, s6;
	s7 =	simm.s32 @p2 $0x1082  }
0x22: {  	[simem:s7], [sflag:s8] =	dma.local @!p0 [hbm:s6], $0xF7A  }
0x23: {  	s9 =	sor.u32 $0xD0000000, s2;
	s6 =	simm.s32 $0x108;
	_ =	swait.ge @!p0 [sflag:s8], $0x0  }
0x24: {  	s3 =	sadd.s32 $0x88, s3;
	s6 =	simm.s32 @!p1 $0x1082;
	[sflag:s4] =	ssyncset.s32 $0xFFFFF086  }
0x25: {  	[simem:s6], [sflag:s4] =	dma.local [hbm:s3], $0xF7A  }
0x26: {  	[smem:$0x3F9D] =	sst s1;
	(tag) =	ssettag s2;
	_ =	strace s9  }
0x27: {  	s1 =	sld [smem:$0x3FAD]  }
0x28: {  	s2 =	sld [smem:$0x3FAE]  }
0x29: {  	s4 =	sld [smem:$0x3FB0]  }
0x2a: {  	p0 =	seq.s32 s5, $0x0;
	s5 =	sld [smem:$0x3FB1]  }
0x2b: {  	s6 =	sld [smem:$0x3FB2]  }
0x2c: {  	s7 =	sld [smem:$0x3FB3]  }
0x2d: {  	s3 =	simm.s32 $0x108;
	s8 =	sld [smem:$0x3FB4]  }
0x2e: {  	s3 =	simm.s32 @!p0 $0x1082;
	s9 =	sld [smem:$0x3FB5]  }
0x2f: {  	lr =	sadd.s32 s0, s3;
	s0 =	sld [smem:$0x3FAC]  }
0x30: {  	s3 =	sld [smem:$0x3FAF]  }
0x31: {  	[smem:$0x3FB8] =	sst s10  }
0x32: {  	s10 =	sld [smem:$0x3FB6];
	_ =	sdelay $0x3  }
0x33: {  	p0 =	seq.s32 s10, $0x1;
	s10 =	sld [smem:$0x3FB8];
	_ =	sdelay $0x3  }
0x34: {  	[smem:$0x3FB8] =	sst s10  }
0x35: {  	s10 =	sld [smem:$0x3FB7];
	_ =	sdelay $0x3  }
0x36: {  	p1 =	seq.s32 s10, $0x1;
	s10 =	sld [smem:$0x3FB8];
	_ =	sdelay $0x3  }
0x37: {  	[smem:$0x3FB8] =	sst s10  }
0x38: {  	s10 =	sld [smem:$0x3FB9]  }
0x39: {  	_ = 	snop;
	(pc) =	sbr.ind lr, $3  }
0x3a: {  	_ = 	snop  }
0x3b: {  	_ = 	snop  }
0x3c: {  	p2 =	seq.s32 s10, $0x1;
	s10 =	sld [smem:$0x3FB8]  }
0x3d: {  	_ =	shalt  }
0x3e: {  	_ =	shalt  }
0x3f: {  	_ =	shalt  }
0x40: {  	_ =	shalt  }
0x41: {  	_ =	shalt  }
0x42: {  	_ =	shalt  }
0x43: {  	_ =	shalt  }
0x44: {  	_ =	shalt  }
0x45: {  	_ =	shalt  }
0x46: {  	_ =	shalt  }
0x47: {  	_ =	shalt  }
0x48: {  	_ =	shalt  }
0x49: {  	_ =	shalt  }
0x4a: {  	_ =	shalt  }
0x4b: {  	_ =	shalt  }
0x4c: {  	_ =	shalt  }
0x4d: {  	_ =	shalt  }
0x4e: {  	_ =	shalt  }
0x4f: {  	_ =	shalt  }
0x50: {  	_ =	shalt  }
0x51: {  	_ =	shalt  }
0x52: {  	_ =	shalt  }
0x53: {  	_ =	shalt  }
0x54: {  	_ =	shalt  }
0x55: {  	_ =	shalt  }
0x56: {  	_ =	shalt  }
0x57: {  	_ =	shalt  }
0x58: {  	_ =	shalt  }
0x59: {  	_ =	shalt  }
0x5a: {  	_ =	shalt  }
0x5b: {  	_ =	shalt  }
0x5c: {  	_ =	shalt  }
0x5d: {  	_ =	shalt  }
0x5e: {  	_ =	shalt  }
0x5f: {  	_ =	shalt  }
0x60: {  	_ =	shalt  }
0x61: {  	_ =	shalt  }
0x62: {  	_ =	shalt  }
0x63: {  	_ =	shalt  }
0x64: {  	_ =	shalt  }
0x65: {  	_ =	shalt  }
0x66: {  	_ =	shalt  }
0x67: {  	_ =	shalt  }
0x68: {  	_ =	shalt  }
0x69: {  	_ =	shalt  }
0x6a: {  	_ =	shalt  }
0x6b: {  	_ =	shalt  }
0x6c: {  	_ =	shalt  }
0x6d: {  	_ =	shalt  }
0x6e: {  	_ =	shalt  }
0x6f: {  	_ =	shalt  }
0x70: {  	_ =	shalt  }
0x71: {  	_ =	shalt  }
0x72: {  	_ =	shalt  }
0x73: {  	_ =	shalt  }
0x74: {  	_ =	shalt  }
0x75: {  	_ =	shalt  }
0x76: {  	_ =	shalt  }
0x77: {  	_ =	shalt  }
0x78: {  	_ =	shalt  }
0x79: {  	_ =	shalt  }
0x7a: {  	_ =	shalt  }
0x7b: {  	_ =	shalt  }
0x7c: {  	_ =	shalt  }
0x7d: {  	_ =	shalt  }
0x7e: {  	_ =	shalt  }
0x7f: {  	_ =	shalt  }
0x80: {  	_ =	shalt  }
0x81: {  	_ =	shalt  }
0x82: {  	_ =	shalt  }
0x83: {  	_ =	shalt  }
0x84: {  	_ =	shalt  }
0x85: {  	_ =	shalt  }
0x86: {  	_ =	shalt  }
0x87: {  	_ =	shalt  }
.Lfunc_end0:
.L_simem_size_0:
called_computation_lowered:
.L_overlay_start_0:
0x88: {  	s2 =	sld [smem:$0x3FD9]  }
0x89: {  	s3 =	sld [smem:$0x3FFE];
	_ =	sdelay $0x1  }
0x8a: {  	s1 =	srdreg.scid  }
0x8b: {  	s0 =	sand.u32 $0x1, s1  }
0x8c: {  	s17 =	sshll.u32 s0, $0xA;
	s2 =	sadd.s32 s3, s2  }
0x8d: {  	s2 =	sadd.s32 s2, s17  }
0x8e: {  	[smem:$0x3FC4] =	sst s2  }
0x8f: {  	_ = 	snop  }
0x90: {  	s2 =	sld [smem:$0x3FC9]  }
0x91: {  	s18 =	sld [smem:$0x3FC8]  }
0x92: {  	s4 =	sld [smem:$0x3FC6];
	(tm) =	ssettm $0x1  }
0x93: {  	s5 =	sld [smem:$0x3FFB];
	_ =	sdelay $0x3  }
0x94: {  	_ =	strace s5  }
0x95: {  	s5 =	sld [smem:$0x3FFC];
	_ =	sdelay $0x3  }
0x96: {  	_ =	strace s5  }
0x97: {  	s5 =	sld [smem:$0x3FFD];
	_ =	sdelay $0x3  }
0x98: {  	_ =	strace s5  }
0x99: {  	_ =	strace $0x8FFFFFFF  }
0x9a: {  	s19 =	sld [smem:$0x3FDB];
	_ =	sdelay $0x1  }
0x9b: {  	s6 =	simm.s32 $_scs_section_size  }
0x9c: {  	s7 =	simm.s32 $_size__tile_overlayer_lowered;
	s8 =	simm.s32 $_tile_overlayer_lowered  }
0x9d: {  	s22 =	simm.s32 $0x1BFF;
	s21 =	sshll.u32 s8, $0x1;
	s5 =	sadd.s32 s6, s19  }
0x9e: {  	s9 =	simm.s32 $0x0;
	s20 =	sshll.u32 s7, $0x1;
	s7 =	sadd.s32 s21, s5  }
0x9f: {  	[timem:s9], [sflag:s22] =	dma.local [hbm:s7], s20  }
0xa0: {  	_ =	swait.ge [sflag:s22], s20  }
0xa1: {  	s6 =	ssub.s32 $0x0, s20;
	[sflag:s22] =	ssyncset.done $0x0  }
0xa2: {  	[sflag:s22] =	ssyncadd.s32 s6;
	_ =	sdelay $0x1  }
0xa3: {  	s23 =	simm.s32 $0x1B8B  }
0xa4: {  	_ =	swait.ge [sflag:s23], $0x1  }
0xa5: {  	[sflag:s23] =	ssyncset.done $0x0  }
0xa6: {  	s25 =	simm.s32 $0x1B8E;
	s24 =	sld [smem:$0x3FFE];
	[sflag:s23] =	ssyncadd.s32 $0xFFFFFFFF  }
0xa7: {  	s26 =	simm.s32 $execute0_lowered;
	[smem:$0x3FD2] =	sst s25  }
0xa8: {  	s7 =	sshll.u32 s26, $0x1;
	_ =	strace $0x80000046;
	[dreg:$0x1] =	wrdreg $0xFFFFFFFF  }
0xa9: {  	s28 =	simm.s32 $_size_execute0_lowered;
	s5 =	sadd.s32 s5, s7;
	[dreg:$0x0] =	wrdreg $0x0  }
0xaa: {  	s7 =	sshll.u32 s28, $0x1;
	[dreg:$0x2] =	wrdreg s5  }
0xab: {  	[dreg:$0x3] =	wrdreg s7  }
0xac: {  	[dreg:$0x4] =	wrdreg $0xC0  }
0xad: {  	_ =	task [dreg:s9], $0x5FFFF  }
0xae: {  	[dreg:$0x1] =	wrdreg $0xFFFFFFFF  }
0xaf: {  	[dreg:$0x0] =	wrdreg $0x60  }
0xb0: {  	[dreg:$0x2] =	wrdreg s2  }
0xb1: {  	[dreg:$0x3] =	wrdreg s4  }
0xb2: {  	[dreg:$0x4] =	wrdreg s24  }
0xb3: {  	[dreg:$0x5] =	wrdreg s18  }
0xb4: {  	[dreg:$0x6] =	wrdreg $0x9  }
0xb5: {  	_ =	task.clear_ibuf [dreg:s9], $0x7FFFF;
	_ =	strace $0x90000046  }
0xb6: {  	s29 =	simm.s32 $0x9;
	_ =	strace $0x80000048  }
0xb7: {  	_ =	swait.ge [sflag:s29], $0x1  }
0xb8: {  	[sflag:s29] =	ssyncadd.s32 $0xFFFFFFFF  }
0xb9: {  	_ =	strace $0x90000048  }
0xba: {  	_ =	sfence  }
0xbb: {  	s30 =	sld [smem:$0x0];
	_ =	sdelay $0x2  }
0xbc: {  	s31 =	sshll.u32 s1, $0xD;
	s1 =	sshrl.u32 s1, $0x2  }
0xbd: {  	s3 =	sand.u32 $0x4000, s31;
	s1 =	sadd.s32 s1, s30  }
0xbe: {  	s0 =	sor.u32 s3, s0;
	s1 =	sshll.u32 s1, $0x11  }
0xbf: {  	s0 =	sor.u32 s1, s0  }
0xc0: {  	s0 =	sadd.s32 $0x8F2B, s0  }
0xc1: {  	[sflag:s0] =	ssyncadd.remote.s32 $0x1  }
0xc2: {  	_ =	sfence.sel $0xFFFF  }
0xc3: {  	[dreg:$0x0] =	wrdreg $0xFFFFFFFF;
	(pc) =	sbr.abs _section_cstart, $3  }
0xc4: {  	[dreg:$0x1] =	wrdreg $0xFFFFFFFF  }
0xc5: {  	_ =	task.clear_ibuf [dreg:s9], $0x2FFFF;
	_ =	strace $0x9FFFFFFF  }
0xc6: {  	(tm) =	ssettm $0x7FFFFFFF  }
0xc7: {  	_ =	shalt  }
tec
execute0_lowered:
.L_overlay_start_1:
0x0: {  	(tag) =	ssettag $0x1  }
0x1: {  	s3 =	rddreg [dreg:$0x0]  }
0x2: {  	s4 =	rddreg [dreg:$0x1]  }
0x3: {  	s5 =	rddreg [dreg:$0x2]  }
0x4: {  	s6 =	rddreg [dreg:$0x3]  }
0x5: {  	s0 =	rddreg [dreg:$0x4]  }
0x6: {  	s7 =	srdreg.scid;
	s1 =	stileid.u32  }
0x7: {  	s2 =	simm.s32 $0x0;
	s12 =	simm.s32 $0x6480;
	s13 =	simm.s32 $0x6500  }
0x8: {  	s14 =	simm.s32 $0x2;
	s15 =	simm.s32 $0x3;
	s16 =	simm.s32 $0x4  }
0x9: {  	s17 =	simm.s32 $0x1;
	s18 =	simm.s32 $0x6580;
	s19 =	simm.s32 $0x5  }
0xa: {  	s20 =	simm.s32 $0x0;
	s7 =	sand.u32 $0x1, s7;
	s8 =	sshll.u32 s1, $0x1  }
0xb: {  	[smem:$0x7FF] =	sst s2;
	s8 =	sor.u32 s7, s8;
	s7 =	ssub.s32 $0x2, s7  }
0xc: {  	_ =	strace $0x80000047;
	s9 =	sshll.u32 s8, $0x4;
	s10 =	sshrl.u32 s7, $0x1  }
0xd: {  	v0 =	vlaneseq.u32;
	s31 =	sshll.u32 s8, $0x7;
	s11 =	sadd.s32 s9, s5;
	s10 =	ssub.s32 s7, s10  }
0xe: {  	vm0 =	vcmask $0xB08;
	vm1 =	vmmov $0x1;
	v1 =	vor.u32 $0x10, v0;
	s3 =	sadd.s32 s3, s31;
	s4 =	sadd.s32 s4, s9;
	s6 =	sadd.s32 s6, s9  }
0xf: {  	v2 =	vor.u32 $0x20, v0;
	v3 =	vor.u32 $0x30, v0;
	v4 =	vor.u32 $0x40, v0;
	s9 =	simm.s32 $0x400;
	s5 =	sadd.s32 $0x600, s11;
	s7 =	sadd.s32 $0x800, s11  }
0x10: {  	v5 =	vor.u32 $0x50, v0;
	v6 =	vor.u32 $0x60, v0;
	v7 =	vor.u32 $0x70, v0;
	s8 =	smax.u32 s10, $0x1;
	s10 =	simm.s32 $0x8000;
	s11 =	simm.s32 $0x6400  }
.LBB2_1:
0x11: {  	[tilespmem:s2], [sflag:$0x1] =	stream.strided.gather [hbm4b:s3+s9], $0x6400, s10, s9, $0x38;
	[tilespmem:$0x6600] =	vst v63  }
0x12: {  	_ = 	snop  }
0x13: {  	[tilespmem:s11], [sflag:$0x2] =	stream.linear.gather [hbm4b:s4+s2], $0x80, $0x38;
	[tilespmem:$0x6600] =	vst v63  }
0x14: {  	_ = 	snop  }
0x15: {  	[tilespmem:s12], [sflag:$0x3] =	stream.linear.gather [hbm4b:s5+s2], $0x80, $0x38;
	[tilespmem:$0x6600] =	vst v63  }
0x16: {  	_ = 	snop  }
0x17: {  	[tilespmem:s13], [sflag:$0x4] =	stream.linear.gather [hbm4b:s6+s2], $0x80, $0x38;
	[tilespmem:$0x6600] =	vst v63  }
0x18: {  	_ =	swait.ge [sflag:s14], $0x80  }
0x19: {  	[sflag:s14] =	ssyncset.done $0x0  }
0x1a: {  	[sflag:s14] =	ssyncadd.s32 $0xFFFFFF80  }
0x1b: {  	_ =	swait.ge [sflag:s15], $0x80  }
0x1c: {  	[sflag:s15] =	ssyncset.done $0x0  }
0x1d: {  	[sflag:s15] =	ssyncadd.s32 $0xFFFFFF80  }
0x1e: {  	_ =	swait.ge [sflag:s16], $0x80  }
0x1f: {  	[sflag:s16] =	ssyncset.done $0x0  }
0x20: {  	[sflag:s16] =	ssyncadd.s32 $0xFFFFFF80  }
0x21: {  	_ =	swait.ge [sflag:s17], $0x6400  }
0x22: {  	[sflag:s17] =	ssyncset.done $0x0  }
0x23: {  	[sflag:s17] =	ssyncadd.s32 $0xFFFF9C00  }
0x24: {  	v8 =	vld [tilespmem:$0x6400]  }
0x25: {  	v9 =	vld [tilespmem:$0x6480]  }
0x26: {  	v10 =	vld [tilespmem:$0x6410]  }
0x27: {  	v11 =	vld [tilespmem:$0x6490]  }
0x28: {  	v16 =	vld [tilespmem:$0x6440]  }
0x29: {  	v12 =	vld [tilespmem:$0x6420]  }
0x2a: {  	v13 =	vld [tilespmem:$0x64A0]  }
0x2b: {  	v14 =	vld [tilespmem:$0x6430];
	v8 =	vshra.s32 v8, $0x1  }
0x2c: {  	v15 =	vld [tilespmem:$0x64B0];
	v8 =	vmul.u32 v9, v8;
	v9 =	vshra.s32 v10, $0x1  }
0x2d: {  	v19 =	vmov s2;
	v17 =	vld [tilespmem:$0x64C0];
	v16 =	vshra.s32 v16, $0x1;
	v9 =	vmul.u32 v11, v9  }
0x2e: {  	v18 =	vld [tilespmem:$0x6450];
	v11 =	vshra.s32 v12, $0x1;
	v10 =	vadd.s32 s2, v8;
	vm7 =	vlt.s32 v19, v8  }
0x2f: {  	v22 =	vld [tilespmem:$0x6470];
	v12 =	vshll.u32 v10, $0x7;
	v10 =	vmul.u32 v13, v11;
	v11 =	vadd.s32 s2, v9  }
0x30: {  	v13 =	vld [tilespmem:$0x64D0];
	vm5 =	vlt.s32 v19, v9;
	v20 =	vor.u32 v0, v12;
	v12 =	vshra.s32 v14, $0x1  }
0x31: {  	v14 =	vld [tilespmem:$0x6460];
	v21 =	vshll.u32 v11, $0x7;
	v11 =	vmul.u32 v15, v12;
	v12 =	vadd.s32 s2, v10  }
0x32: {  	s21 =	simm.s32 $0x40;
	v15 =	vld [tilespmem:$0x64E0];
	v21 =	vor.u32 v1, v21;
	vm6 =	vlt.s32 v19, v10;
	v23 =	vshll.u32 v12, $0x7  }
0x33: {  	v24 =	vld [tilespmem:s21+$0xFFFFFFC0];
	v18 =	vshra.s32 v18, $0x1;
	v12 =	vmul.u32 v17, v16;
	v17 =	vor.u32 v2, v23  }
0x34: {  	v22 =	vshra.s32 v22, $0x1;
	v16 =	vld [tilespmem:$0x64F0];
	v23 =	vadd.s32 s2, v11;
	vm8 =	vlt.s32 v19, v11  }
0x35: {  	v23 =	vshll.u32 v23, $0x7;
	v13 =	vmul.u32 v13, v18;
	vm9 =	vlt.s32 v19, v12;
	v20 =	vld.idx.msk [tilespmem:v20+s2+$0x0], vm7  }
0x36: {  	v25 =	vld [tilespmem:s21+$0xFFFFFFD0];
	v18 =	vor.u32 v3, v23;
	v23 =	vadd.s32 s2, v12;
	v14 =	vshra.s32 v14, $0x1  }
0x37: {  	v21 =	vld.idx.msk [tilespmem:v21+s2+$0x0], vm5;
	v23 =	vshll.u32 v23, $0x7;
	v14 =	vmul.u32 v15, v14;
	v15 =	vadd.s32 s2, v13  }
0x38: {  	vm4 =	vlt.s32 v19, v13;
	v23 =	vor.u32 v4, v23;
	v26 =	vld.idx.msk [tilespmem:v17+s2+$0x0], vm6;
	v17 =	vshll.u32 v15, $0x7  }
0x39: {  	v28 =	vld [tilespmem:s21+$0xFFFFFFF0];
	v15 =	vmul.u32 v16, v22;
	v16 =	vadd.s32 s2, v14;
	vm3 =	vlt.s32 v19, v14  }
0x3a: {  	v22 =	vld [tilespmem:s21+$0xFFFFFFE0];
	v27 =	vor.u32 v5, v17;
	v16 =	vshll.u32 v16, $0x7;
	v17 =	vsub.f32 v24, v20  }
0x3b: {  	v20 =	vld.idx.msk [tilespmem:v18+s2+$0x0], vm8;
	v18 =	vimm.f32 $0.0e+00;
	v29 =	vor.u32 v6, v16;
	v16 =	vadd.s32 s2, v15  }
0x3c: {  	v21 =	vsub.f32 v25, v21;
	v30 =	vshll.u32 v16, $0x7;
	v16 =	vadd.f32 v25, v18;
	v25 =	vld [tilespmem:s21+$0x10]  }
0x3d: {  	v23 =	vld.idx.msk [tilespmem:v23+s2+$0x0], vm9  }
0x3e: {  	vm2 =	vlt.s32 v19, v15;
	v19 =	vmul.f32 v17, v17;
	v17 =	vadd.f32 v24, v18;
	v24 =	vld [tilespmem:s21+$0x0]  }
0x3f: {  	v27 =	vld.idx.msk [tilespmem:v27+s2+$0x0], vm4  }
0x40: {  	s22 =	simm.s32 $0x1;
	v30 =	vor.u32 v7, v30;
	v21 =	vmul.f32 v21, v21;
	v19 =	vnsel vm7, $0x0, v19  }
0x41: {  	v63 =	vadd.s32 s22, v8;
	v26 =	vsub.f32 v22, v26;
	v31 =	vadd.f32 v19, v18  }
0x42: {  	v34 =	vshll.u32 v63, $0x7;
	v19 =	vadd.f32 v22, v18;
	v21 =	vnsel vm5, $0x0, v21;
	v33 =	vld.idx.msk [tilespmem:v29+s2+$0x0], vm3  }
0x43: {  	v22 =	vmul.f32 v26, v26;
	v32 =	vsub.f32 v28, v20;
	v26 =	vld [tilespmem:s21+$0x20];
	v21 =	vadd.f32 v21, v31  }
0x44: {  	v29 =	vadd.s32 s22, v10;
	v23 =	vsub.f32 v24, v23;
	v27 =	vsub.f32 v25, v27  }
0x45: {  	v20 =	vadd.f32 v28, v18;
	v22 =	vnsel vm6, $0x0, v22;
	v28 =	vmul.f32 v32, v32;
	v30 =	vld.idx.msk [tilespmem:v30+s2+$0x0], vm2  }
0x46: {  	v21 =	vadd.f32 v22, v21;
	v23 =	vmul.f32 v23, v23;
	v35 =	vmul.f32 v27, v27;
	v27 =	vld [tilespmem:s21+$0x30]  }
0x47: {  	v31 =	vadd.s32 s22, v9;
	v22 =	vnsel vm8, $0x0, v28;
	v28 =	vmov s22  }
0x48: {  	v33 =	vsub.f32 v26, v33;
	v32 =	vadd.f32 v22, v21;
	v36 =	vnsel vm9, $0x0, v23  }
0x49: {  	s24 =	simm.s32 $0x2;
	v23 =	vimm.f32 $0.0e+00;
	v22 =	vimm.f32 $0.0e+00;
	v21 =	vimm.f32 $0.0e+00  }
.LBB2_2:
0x4a: {  	p0 =	sne.s32 s24, $0x62;
	vm9 =	vlt.s32 v28, v8;
	v34 =	vor.u32 v0, v34;
	v32 =	vadd.f32 v36, v32  }
0x4b: {  	v35 =	vnsel vm4, $0x0, v35;
	v33 =	vmul.f32 v33, v33;
	v30 =	vsub.f32 v27, v30  }
0x4c: {  	vm7 =	vlt.s32 v28, v9;
	v31 =	vshll.u32 v31, $0x7;
	v32 =	vadd.f32 v35, v32  }
0x4d: {  	v31 =	vor.u32 v1, v31;
	v33 =	vnsel vm3, $0x0, v33;
	v30 =	vmul.f32 v30, v30  }
0x4e: {  	vm5 =	vlt.s32 v28, v10;
	v29 =	vshll.u32 v29, $0x7;
	v32 =	vadd.f32 v33, v32  }
0x4f: {  	s23 =	simm.s32 $0x0;
	v29 =	vor.u32 v2, v29;
	v33 =	vadd.s32 s22, v11;
	v30 =	vnsel vm2, $0x0, v30  }
0x50: {  	vm6 =	vlt.s32 v28, v11;
	s21 =	sadd.s32 $0x80, s21;
	v33 =	vshll.u32 v33, $0x7;
	v34 =	vld.idx.msk [tilespmem:v34+s23+$0x0], vm9;
	v30 =	vadd.f32 v30, v32  }
0x51: {  	v18 =	vadd.f32 v24, v18;
	v35 =	vadd.s32 s22, v12;
	v33 =	vor.u32 v3, v33;
	v32 =	vld [tilespmem:s21+$0xFFFFFFC0]  }
0x52: {  	vm8 =	vlt.s32 v28, v12;
	v23 =	vadd.f32 v25, v23;
	v24 =	vld.idx.msk [tilespmem:v31+s23+$0x0], vm7;
	v31 =	vshll.u32 v35, $0x7  }
0x53: {  	v22 =	vadd.f32 v26, v22;
	v35 =	vadd.s32 s22, v13;
	v25 =	vld [tilespmem:s21+$0xFFFFFFD0];
	v31 =	vor.u32 v4, v31  }
0x54: {  	vm4 =	vlt.s32 v28, v13;
	v21 =	vadd.f32 v27, v21;
	v26 =	vld.idx.msk [tilespmem:v29+s23+$0x0], vm5;
	v29 =	vshll.u32 v35, $0x7  }
0x55: {  	v35 =	vadd.s32 s22, v14;
	v27 =	vld [tilespmem:s21+$0xFFFFFFE0];
	v29 =	vor.u32 v5, v29  }
0x56: {  	vm3 =	vlt.s32 v28, v14;
	v35 =	vshll.u32 v35, $0x7;
	v34 =	vsub.f32 v32, v34;
	v33 =	vld.idx.msk [tilespmem:v33+s23+$0x0], vm6  }
0x57: {  	vm2 =	vlt.s32 v28, v15;
	v28 =	vadd.s32 s22, v15;
	s22 =	smov.u32 s24;
	v35 =	vor.u32 v6, v35;
	v36 =	vld [tilespmem:s21+$0xFFFFFFF0]  }
0x58: {  	v28 =	vshll.u32 v28, $0x7;
	v34 =	vmul.f32 v34, v34;
	v37 =	vsub.f32 v25, v24;
	v31 =	vld.idx.msk [tilespmem:v31+s23+$0x0], vm8  }
0x59: {  	v28 =	vor.u32 v7, v28;
	v17 =	vadd.f32 v32, v17;
	v16 =	vadd.f32 v25, v16;
	v24 =	vld [tilespmem:s21+$0x0]  }
0x5a: {  	v25 =	vnsel vm9, $0x0, v34;
	v32 =	vmul.f32 v37, v37;
	v26 =	vsub.f32 v27, v26;
	v34 =	vld.idx.msk [tilespmem:v29+s23+$0x0], vm4  }
0x5b: {  	v19 =	vadd.f32 v27, v19;
	v30 =	vadd.f32 v25, v30;
	v25 =	vld [tilespmem:s21+$0x10]  }
0x5c: {  	v27 =	vnsel vm7, $0x0, v32;
	v32 =	vmul.f32 v26, v26;
	v33 =	vsub.f32 v36, v33;
	v37 =	vld.idx.msk [tilespmem:v35+s23+$0x0], vm3  }
0x5d: {  	v29 =	vadd.s32 s24, v10;
	v20 =	vadd.f32 v36, v20;
	v27 =	vadd.f32 v27, v30;
	v26 =	vld [tilespmem:s21+$0x20]  }
.Ltmp0:
0x5e: {  	v32 =	vnsel vm5, $0x0, v32;
	v33 =	vmul.f32 v33, v33;
	v35 =	vsub.f32 v24, v31;
	v30 =	vld.idx.msk [tilespmem:v28+s23+$0x0], vm2;
	(pc) =	sbr.rel @p0 .LBB2_2-.Ltmp0, $4  }
0x5f: {  	v36 =	vadd.s32 s24, v8;
	v31 =	vadd.s32 s24, v9;
	v32 =	vadd.f32 v32, v27;
	v27 =	vld [tilespmem:s21+$0x30]  }
0x60: {  	v33 =	vnsel vm6, $0x0, v33;
	v35 =	vmul.f32 v35, v35;
	v38 =	vsub.f32 v25, v34  }
0x61: {  	v28 =	vmov s24;
	v34 =	vshll.u32 v36, $0x7;
	v32 =	vadd.f32 v33, v32  }
0x62: {  	s24 =	sadd.s32 $0x1, s24;
	v36 =	vnsel vm8, $0x0, v35;
	v35 =	vmul.f32 v38, v38;
	v33 =	vsub.f32 v26, v37  }
0x63: {  	vm7 =	vlt.s32 v28, v8  }
0x64: {  	v34 =	vor.u32 v0, v34  }
0x65: {  	vm5 =	vlt.s32 v28, v9;
	v31 =	vshll.u32 v31, $0x7  }
0x66: {  	v32 =	vadd.f32 v36, v32;
	vm15 =	vlt.s32 v28, v10;
	v31 =	vor.u32 v1, v31  }
0x67: {  	v29 =	vshll.u32 v29, $0x7;
	v52 =	vadd.s32 s22, v11;
	vm6 =	vlt.s32 v28, v11;
	s21 =	sadd.s32 $0x80, s21  }
0x68: {  	v37 =	vadd.s32 s22, v12;
	v39 =	vadd.s32 s22, v13;
	v29 =	vor.u32 v2, v29;
	v53 =	vld [tilespmem:s21+$0xFFFFFFC0]  }
0x69: {  	vm8 =	vlt.s32 v28, v13;
	v33 =	vmul.f32 v33, v33;
	v36 =	vshll.u32 v52, $0x7;
	v34 =	vld.idx.msk [tilespmem:v34+s23+$0x0], vm7  }
0x6a: {  	v35 =	vnsel vm4, $0x0, v35;
	v30 =	vsub.f32 v27, v30;
	v38 =	vld [tilespmem:s21+$0xFFFFFFD0];
	v36 =	vor.u32 v3, v36  }
0x6b: {  	v37 =	vshll.u32 v37, $0x7;
	v33 =	vnsel vm3, $0x0, v33;
	vm3 =	vlt.s32 v28, v12;
	v31 =	vld.idx.msk [tilespmem:v31+s23+$0x0], vm5  }
0x6c: {  	v40 =	vadd.s32 s22, v14;
	v55 =	vld [tilespmem:s21+$0xFFFFFFE0];
	v32 =	vadd.f32 v35, v32;
	v37 =	vor.u32 v4, v37  }
0x6d: {  	v54 =	vshll.u32 v39, $0x7;
	v40 =	vshll.u32 v40, $0x7;
	v30 =	vmul.f32 v30, v30;
	v29 =	vld.idx.msk [tilespmem:v29+s23+$0x0], vm15  }
0x6e: {  	v41 =	vld [tilespmem:s21+$0xFFFFFFF0];
	v32 =	vadd.f32 v33, v32;
	v33 =	vor.u32 v5, v54;
	v34 =	vsub.f32 v53, v34  }
0x6f: {  	vm9 =	vlt.s32 v28, v14;
	v56 =	vadd.s32 s22, v15;
	v40 =	vor.u32 v6, v40;
	v36 =	vld.idx.msk [tilespmem:v36+s23+$0x0], vm6  }
0x70: {  	v57 =	vld [tilespmem:s21+$0x0];
	v30 =	vnsel vm2, $0x0, v30;
	v31 =	vsub.f32 v38, v31;
	v34 =	vmul.f32 v34, v34  }
0x71: {  	vm2 =	vlt.s32 v28, v15;
	v28 =	vshll.u32 v56, $0x7;
	v30 =	vadd.f32 v30, v32;
	v37 =	vld.idx.msk [tilespmem:v37+s23+$0x0], vm3  }
0x72: {  	v58 =	vld [tilespmem:s21+$0x10];
	v29 =	vsub.f32 v55, v29;
	v31 =	vmul.f32 v31, v31;
	v34 =	vnsel vm7, $0x0, v34  }
0x73: {  	v28 =	vor.u32 v7, v28;
	v33 =	vld.idx.msk [tilespmem:v33+s23+$0x0], vm8;
	v30 =	vadd.f32 v34, v30  }
0x74: {  	v59 =	vld [tilespmem:s21+$0x20];
	v36 =	vsub.f32 v41, v36;
	v29 =	vmul.f32 v29, v29;
	v31 =	vnsel vm5, $0x0, v31  }
0x75: {  	v40 =	vld.idx.msk [tilespmem:v40+s23+$0x0], vm9;
	v30 =	vadd.f32 v31, v30  }
0x76: {  	v36 =	vmul.f32 v36, v36;
	v37 =	vsub.f32 v57, v37;
	v29 =	vnsel vm15, $0x0, v29  }
0x77: {  	v18 =	vadd.f32 v24, v18;
	v60 =	vld [tilespmem:s21+$0x30];
	v29 =	vadd.f32 v29, v30  }
0x78: {  	v28 =	vld.idx.msk [tilespmem:v28+s23+$0x0], vm2;
	v33 =	vsub.f32 v58, v33;
	v36 =	vnsel vm6, $0x0, v36;
	v37 =	vmul.f32 v37, v37  }
0x79: {  	v25 =	vadd.f32 v25, v23;
	v24 =	vadd.f32 v36, v29  }
0x7a: {  	v62 =	vsub.f32 v59, v40;
	v33 =	vmul.f32 v33, v33;
	v61 =	vnsel vm3, $0x0, v37  }
0x7b: {  	v26 =	vadd.f32 v26, v22;
	v23 =	vadd.f32 v61, v24  }
0x7c: {  	v27 =	vadd.f32 v27, v21;
	v63 =	vmul.f32 v62, v62;
	v24 =	vnsel vm8, $0x0, v33  }
0x7d: {  	p1 =	por $0x1, $0x1;
	v28 =	vsub.f32 v60, v28;
	v22 =	vadd.f32 v24, v23  }
.Ltmp1:
0x7e: {  	v21 =	vnsel vm9, $0x0, v63;
	v24 =	vadd.f32 v53, v17;
	v23 =	vadd.f32 v38, v16;
	(pc) =	sbr.rel @!p1 .LBB2_4-.Ltmp1, $4  }
0x7f: {  	v28 =	vmul.f32 v28, v28;
	v17 =	vadd.f32 v21, v22;
	v21 =	vadd.f32 v55, v19  }
0x80: {  	v22 =	vadd.f32 v41, v20;
	v20 =	vadd.f32 v57, v18  }
0x81: {  	v16 =	vnsel vm2, $0x0, v28;
	v19 =	vadd.f32 v58, v25;
	v18 =	vadd.f32 v59, v26  }
0x82: {  	p0 =	por $0x0, $0x0;
	s21 =	simm.s32 $0x0;
	v16 =	vadd.f32 v16, v17;
	v17 =	vadd.f32 v60, v27  }
0x83: {  	v28 =	vld [tilespmem:s21+$0x31F0]  }
0x84: {  	v30 =	vld [tilespmem:s21+$0x3180]  }
0x85: {  	v31 =	vld [tilespmem:s21+$0x3190];
	p1 =	por $0x1, $0x1  }
.Ltmp2:
0x86: {  	v25 =	vld [tilespmem:s21+$0x31A0];
	(pc) =	sbr.rel @!p1 .LBB2_6-.Ltmp2, $4  }
0x87: {  	v26 =	vld [tilespmem:s21+$0x31B0]  }
0x88: {  	v27 =	vld [tilespmem:s21+$0x31C0]  }
0x89: {  	v29 =	vld [tilespmem:s21+$0x31D0];
	v33 =	vmov v19;
	v34 =	vmov v18;
	v17 =	vadd.f32 v28, v17  }
0x8a: {  	s22 =	simm.s32 $0x80;
	s23 =	simm.s32 $0x400;
	v32 =	vld [tilespmem:s21+$0x31E0];
	p0 =	por $0x1, $0x1;
	v24 =	vadd.f32 v30, v24;
	v23 =	vadd.f32 v31, v23;
	v28 =	vmovc v21;
	v30 =	vmovc v22;
	v31 =	vmov v20  }
.LBB2_7:
0x8b: {  	p1 =	sne.s32 s23, $0xC800;
	v35 =	vld [tilespmem:s22+$0x31F0];
	v28 =	vadd.f32 v25, v28  }
0x8c: {  	v36 =	vld [tilespmem:s22+$0x3180];
	v30 =	vadd.f32 v26, v30  }
0x8d: {  	v37 =	vld [tilespmem:s22+$0x3190];
	v31 =	vadd.f32 v27, v31  }
.Ltmp3:
0x8e: {  	v25 =	vld [tilespmem:s22+$0x31A0];
	v33 =	vadd.f32 v29, v33;
	(pc) =	sbr.rel @p1 .LBB2_7-.Ltmp3, $4  }
0x8f: {  	v26 =	vld [tilespmem:s22+$0x31B0];
	v34 =	vadd.f32 v32, v34  }
0x90: {  	v27 =	vld [tilespmem:s22+$0x31C0];
	v17 =	vadd.f32 v35, v17  }
0x91: {  	v24 =	vadd.f32 v36, v24;
	v29 =	vld [tilespmem:s22+$0x31D0]  }
0x92: {  	v23 =	vadd.f32 v37, v23;
	v32 =	vld [tilespmem:s22+$0x31E0];
	s22 =	sshra.s32 s23, $0x2;
	s23 =	sadd.s32 $0x200, s23  }
0x93: {  	s21 =	smov.u32 s22  }
.LBB2_9:
0x94: {  	v35 =	vld [tilespmem:s21+$0x3180]  }
0x95: {  	v36 =	vld [tilespmem:s21+$0x3190]  }
0x96: {  	v37 =	vld [tilespmem:s21+$0x31A0]  }
0x97: {  	v38 =	vld [tilespmem:$0x6500]  }
0x98: {  	v25 =	vadd.f32 @p0 v25, v28;
	v62 =	vld [tilespmem:$0x6510]  }
0x99: {  	v26 =	vadd.f32 @p0 v26, v30;
	v63 =	vld [tilespmem:s21+$0x31B0];
	v8 =	vadd.s32 v8, v9;
	v27 =	vadd.f32 @p0 v27, v31  }
0x9a: {  	v39 =	vld [tilespmem:$0x6520];
	v8 =	vadd.s32 v10, v8;
	v29 =	vadd.f32 @p0 v29, v33;
	v21 =	vpsel p0, v25, v21  }
0x9b: {  	v40 =	vld [tilespmem:s21+$0x31C0];
	v41 =	vpsel p0, v26, v22;
	v24 =	vadd.f32 v35, v24;
	v23 =	vadd.f32 v36, v23  }
0x9c: {  	v42 =	vld [tilespmem:$0x6530];
	v8 =	vadd.s32 v11, v8;
	v31 =	vadd.f32 @p0 v32, v34;
	v21 =	vadd.f32 v37, v21  }
0x9d: {  	v43 =	vld [tilespmem:s21+$0x31D0];
	v8 =	vadd.s32 v12, v8;
	v44 =	vsub.f32 v24, v38;
	v23 =	vsub.f32 v23, v62  }
0x9e: {  	v45 =	vld [tilespmem:$0x6540];
	v20 =	vpsel p0, v27, v20;
	v8 =	vadd.s32 v13, v8;
	v10 =	vadd.f32 v63, v41  }
0x9f: {  	v46 =	vld [tilespmem:s21+$0x31E0];
	v9 =	vsub.f32 v21, v39;
	v12 =	vmul.f32 v44, v44;
	v23 =	vmul.f32 v23, v23  }
0xa0: {  	v47 =	vld [tilespmem:$0x6550];
	v19 =	vpsel p0, v29, v19;
	v20 =	vadd.f32 v40, v20;
	v8 =	vadd.s32 v14, v8  }
0xa1: {  	v48 =	vld [tilespmem:s21+$0x31F0];
	v10 =	vsub.f32 v10, v42;
	v9 =	vmul.f32 v9, v9;
	v12 =	vadd.f32 v23, v12  }
0xa2: {  	v51 =	vld [tilespmem:$0x6560];
	v49 =	vpsel p0, v31, v18;
	v50 =	vadd.f32 v43, v19;
	v8 =	vadd.s32 v15, v8  }
0xa3: {  	v52 =	vsub.f32 v20, v45;
	v10 =	vmul.f32 v10, v10;
	v9 =	vadd.f32 v9, v12  }
0xa4: {  	v53 =	vld [tilespmem:$0x6570];
	v11 =	vadd.f32 v46, v49;
	(xrf0) =	vadd.scan.msk.s32 $0xffff, v8  }
0xa5: {  	v55 =	vsub.f32 v50, v47;
	v54 =	vmul.f32 v52, v52;
	v8 =	vadd.f32 v10, v9  }
0xa6: {  	v56 =	vadd.f32 v48, v17  }
0xa7: {  	v58 =	vsub.f32 v11, v51;
	v57 =	vmul.f32 v55, v55;
	v8 =	vadd.f32 v54, v8;
	_ =	sdelay $0x1  }
0xa8: {  	v60 =	vsub.f32 v56, v53;
	v59 =	vmul.f32 v58, v58;
	v8 =	vadd.f32 v57, v8  }
0xa9: {  	v61, _, _ =	vpop (xrf0)  }
0xaa: {  	v62 =	vmul.f32 v60, v60;
	(v2sf) =	vpush v61, $0xF;
	v8 =	vadd.f32 v59, v8;
	_ =	sdelay $0x1  }
0xab: {  	v8 =	vadd.f32 v62, v8  }
0xac: {  	(xrf2) =	vadd.scan.msk.f32 $0xffff, v16  }
0xad: {  	(xrf2) =	vadd.scan.msk.f32 $0xffff, v8;
	_ =	sdelay $0x8  }
0xae: {  	v8, _, _ =	vpop (xrf2)  }
0xaf: {  	v63, _, _ =	vpop (xrf2)  }
0xb0: {  	s31 =	spop (v2sf);
	v9 =	vbroadcast v63, $0xF  }
0xb1: {  	s21 =	scvt.s32.f32 s31  }
0xb2: {  	vm2 =	veq.s32 v0, $0x1;
	v8 =	vbroadcast v8, $0xF;
	v9 =	vnsel vm0, $0x0, v9  }
0xb3: {  	v9 =	vsel vm2, s21, v9  }
0xb4: {  	s20 =	sadd.s32 $0x1, s20;
	v8 =	vsel vm1, v8, v9  }
0xb5: {  	p0 =	sne.s32 s20, s8;
	[tilespmem:$0x6580] =	vst v8  }
0xb6: {  	[hbm4b:s7+s2] =	stream.linear.scatter [tilespmem:s18], [sflag:$0x5], $0x80, $0x38;
	[tilespmem:$0x6600] =	vst v63  }
.Ltmp4:
0xb7: {  	_ = 	snop;
	(pc) =	sbr.rel @p0 .LBB2_1-.Ltmp4, $4  }
.Ltmp5:
0xb8: {  	_ = 	snop;
	(pc) =	sbr.rel @!p0 .LBB2_10-.Ltmp5, $4  }
0xb9: {  	_ =	swait.ge [sflag:s19], $0x80  }
0xba: {  	[sflag:s19] =	ssyncset.done $0x0  }
0xbb: {  	[sflag:s19] =	ssyncadd.s32 $0xFFFFFF80  }
0xbc: {  	_ = 	snop  }
.LBB2_4:
.Ltmp6:
0xbd: {  	(pc) =	sbr.rel .LBB2_9-.Ltmp6, $2  }
0xbe: {  	_ =	sdelay $0x2  }
0xbf: {  	v28 =	vmovc v21;
	v30 =	vmovc v22;
	v31 =	vmov v20;
	v33 =	vmov v19;
	v34 =	vmov v18  }
.LBB2_6:
.Ltmp7:
0xc0: {  	(pc) =	sbr.rel .LBB2_9-.Ltmp7, $2  }
0xc1: {  	_ =	sdelay $0x2  }
0xc2: {  	s21 =	simm.s32 $0x80;
	v28 =	vmovc v21;
	v30 =	vmovc v22;
	v31 =	vmov v20;
	v33 =	vmov v19;
	v34 =	vmov v18  }
.LBB2_10:
0xc3: {  	_ =	sfence.sel $0x180000  }
0xc4: {  	[bflag:$0x0] =	sbarrier.arrive $0xFFFF  }
0xc5: {  	p0 =	sne.s32 s1, $0x0;
	_ =	strace $0x90000047  }
0xc6: {  	s0 =	sadd.s32 @!p0 $0x100000, s0;
	[bflag:$0x2] =	sbarrier.arrive $0xFFFF  }
0xc7: {  	[sflag:s0] =	ssyncadd.tile.s32 @!p0 $0x1;
	_ =	shalt  }
.Lfunc_end2:
_tile_overlayer_lowered:
.L_overlay_start_2:
0xc8: {  	(tag) =	ssettag $0x2  }
0xc9: {  	s0 =	rddreg [dreg:$0x0];
	s2 =	stileid.u32  }
0xca: {  	s1 =	rddreg [dreg:$0x1];
	p0 =	sne.s32 s2, $0x0  }
0xcb: {  	s3 =	rddreg [dreg:$0x2];
	[bflag:$0x3] =	sbarrier.arrive $0xFFFF;
	s2 =	simm.s32 @!p0 $0x1C05  }
0xcc: {  	[timem:s3], [sflag:s2] =	dma.local @!p0 [hbm:s0], s1  }
0xcd: {  	s0 =	simm.s32 @!p0 $0x5  }
0xce: {  	_ =	swait.ge @!p0 [sflag:s0], s1  }
0xcf: {  	s1 =	ssub.s32 @!p0 $0x0, s1;
	[sflag:s0] =	ssyncset.done @!p0 $0x0  }
0xd0: {  	[sflag:s0] =	ssyncadd.s32 @!p0 s1  }
0xd1: {  	[bflag:$0x3] =	sbarrier.arrive $0xFFFF  }
0xd2: {  	_ =	shalt  }

</sc_bundles>
